<compile_context>
chip_gen: v7x
topology: tpu7x:2x2x1
jax: 0.10.2.dev20260603
libtpu: 0.0.44.dev20260713+nightly
codegen_flags: <defaults>
</compile_context>

<pallas_src>
import jax
import jax.numpy as jnp
from jax import lax
from jax.experimental import pallas as pl
from jax.experimental.pallas import tpu as pltpu
from jax.experimental.pallas import tpu_sc as plsc

SIGMA = 1.0
B = 8
N = 2048
CI = 256
CJ = 512
NI = N // CI
NJ = N // CJ
L = 16
SCLAMP = 44.0

def _sc_partition_body(scores_hbm, rel_hbm, pos_hbm, neg_hbm, cnt_hbm,
                       s_v, r_v, pos_v, neg_v, cnt_v):
    wid = lax.axis_index("s") * 2 + lax.axis_index("c")

    @pl.when(wid < B)
    def _():
        b = wid
        pltpu.sync_copy(scores_hbm.at[b], s_v)
        pltpu.sync_copy(rel_hbm.at[b], r_v)

        def initloop(i, carry):
            pos_v[pl.ds(i * L, L)] = jnp.zeros((L,), jnp.float32)
            neg_v[pl.ds(i * L, L)] = jnp.zeros((L,), jnp.float32)
            return carry

        lax.fori_loop(0, N // L, initloop, 0)

        lane = lax.iota(jnp.int32, L)

        def chunk(i, carry):
            off_p, off_n = carry
            s = s_v[pl.ds(i * L, L)]
            r = r_v[pl.ds(i * L, L)]
            m = r == 1
            mi = jnp.where(m, 1, 0).astype(jnp.int32)
            incl = plsc.cumsum(mi)
            excl = incl - mi
            npos = jnp.sum(mi)
            pos_idx = lax.broadcast(off_p, (L,)) + excl
            neg_idx = lax.broadcast(off_n, (L,)) + (lane - excl)
            sc = jnp.minimum(jnp.maximum(s, -SCLAMP), SCLAMP) * SIGMA
            plsc.store_scatter(pos_v, [pos_idx], jnp.exp(-sc), mask=m)
            plsc.store_scatter(neg_v, [neg_idx], jnp.exp(sc),
                              mask=jnp.logical_not(m))
            return off_p + npos, off_n + (L - npos)

        off_p, _ = lax.fori_loop(0, N // L, chunk,
                                 (jnp.int32(0), jnp.int32(0)))
        cnt_v[...] = lax.broadcast(off_p, (L,))
        pltpu.sync_copy(pos_v, pos_hbm.at[b])
        pltpu.sync_copy(neg_v, neg_hbm.at[b])
        pltpu.sync_copy(cnt_v, cnt_hbm.at[b])


_sc_partition_fn = None


def _sc_partition(scores, rel):
    global _sc_partition_fn
    if _sc_partition_fn is None:
        mesh = plsc.VectorSubcoreMesh(
            core_axis_name="c", subcore_axis_name="s",
            num_cores=2, num_subcores=16)
        _sc_partition_fn = pl.kernel(
            _sc_partition_body,
            compiler_params=pltpu.CompilerParams(needs_layout_passes=False),
            out_type=[
                jax.ShapeDtypeStruct((B, N), jnp.float32),
                jax.ShapeDtypeStruct((B, N), jnp.float32),
                jax.ShapeDtypeStruct((B, L), jnp.int32),
            ],
            mesh=mesh,
            scratch_types=[
                pltpu.VMEM((N,), jnp.float32),
                pltpu.VMEM((N,), jnp.int32),
                pltpu.VMEM((N,), jnp.float32),
                pltpu.VMEM((N,), jnp.float32),
                pltpu.VMEM((L,), jnp.int32),
            ],
        )
    return _sc_partition_fn(scores, rel)




def _pair_kernel(cnt_ref, pos_t_ref, neg_rs_ref, loss_ref, pairs_ref,
                 acc_ref):
    acc_ref[...] = jnp.zeros((CI, CJ), jnp.float32)
    npairs = jnp.float32(0.0)
    for b in range(B):
        p = cnt_ref[b, 0]
        q = N - p
        npairs += (p * q).astype(jnp.float32)
        ni = (p + CI - 1) // CI
        nj = (q + CJ - 1) // CJ

        def iloop(ci, acc_i, b=b, nj=nj):
            rows = pos_t_ref[pl.ds(ci * CI, CI), b:b + 1]

            def jloop(cj, acc2, rows=rows, b=b):
                cols = neg_rs_ref[pl.ds(b * NJ + cj, 1)]
                l2 = jnp.log2(1.0 + cols.reshape(1, CJ) * rows)
                acc_ref[...] += l2
                return acc2

            return lax.fori_loop(0, nj, jloop, acc_i)

        lax.fori_loop(0, ni, iloop, 0)
    loss_ref[0, 0] = jnp.sum(acc_ref[...]) * jnp.float32(0.6931471805599453)
    pairs_ref[0, 0] = npairs


def _pairwise_call(cnt, pos_t, neg_rs):
    return pl.pallas_call(
        _pair_kernel,
        in_specs=[
            pl.BlockSpec(memory_space=pltpu.SMEM),
            pl.BlockSpec(memory_space=pltpu.VMEM),
            pl.BlockSpec(memory_space=pltpu.VMEM),
        ],
        out_specs=[
            pl.BlockSpec(memory_space=pltpu.SMEM),
            pl.BlockSpec(memory_space=pltpu.SMEM),
        ],
        out_shape=[
            jax.ShapeDtypeStruct((1, 1), jnp.float32),
            jax.ShapeDtypeStruct((1, 1), jnp.float32),
        ],
        scratch_shapes=[pltpu.VMEM((CI, CJ), jnp.float32)],
    )(cnt, pos_t, neg_rs)


def kernel(scores, relevances):
    rel = relevances.astype(jnp.int32)
    pos, neg, cnt = _sc_partition(scores, rel)
    pos_t = pos.T
    neg_rs = neg.reshape(B * NJ, 1, CJ)
    loss, pairs = _pairwise_call(cnt, pos_t, neg_rs)
    total = loss[0, 0]
    npr = pairs[0, 0]
    return jnp.where(npr > 0, total / npr, total)

# --- scband reference (transcript-rebuilt; emitter-appended) ---
"""Pipeline reference for scband-lambda-rank-loss-40355512713943 (READ-ONLY COPY).

The authoritative reference and input builder live on the scoring server;
editing this copy changes nothing except your own understanding.
"""

import jax, jax.numpy as jnp
import numpy as np

SIGMA = 1.0

def setup_inputs(seed: int = 0) -> dict:
    key = jax.random.key(seed)
    k1, k2 = jax.random.split(key)
    scores = jax.random.normal(k1, (8, 2048), dtype=jnp.float32)
    relevances = jax.random.randint(k2, (8, 2048), 0, 2, dtype=jnp.int64)
    return {"scores": scores, "relevances": relevances}

def reference(scores, relevances):
    # Faithful vectorization of the O(B * pos * neg) double loop:
    # total_loss = sum_b sum_{i: y_b[i]==1} sum_{j: y_b[j]==0} softplus(-sigma*(s_b[i]-s_b[j]))
    # num_pairs  = sum_b |pos_b| * |neg_b|
    pos = (relevances == 1).astype(jnp.float32)  # [B, N]
    neg = (relevances == 0).astype(jnp.float32)  # [B, N]
    # s_diff[b, i, j] = s[b, i] - s[b, j]
    s_diff = scores[:, :, None] - scores[:, None, :]  # [B, N, N]
    pair_mask = pos[:, :, None] * neg[:, None, :]      # [B, N, N]
    pair_loss = jax.nn.softplus(-SIGMA * s_diff)
    total_loss = jnp.sum(pair_loss * pair_mask)
    num_pairs = jnp.sum(pair_mask)
    return jnp.where(num_pairs > 0, total_loss / num_pairs, total_loss)

if __name__ == "__main__":
    import jax
    _d = setup_inputs()
    print(jax.jit(kernel)(*tuple(_d.values())))

</pallas_src>

<mosaic_0001>
#map = affine_map<(d0, d1) -> (0, 0)>
module attributes {stable_mosaic.version = 14 : i64} {
  func.func @_sc_partition_body(%arg0: i32, %arg1: i32, %arg2: memref<8x2048xf32, #tpu.memory_space<hbm>>, %arg3: memref<8x2048xi32, #tpu.memory_space<hbm>>, %arg4: memref<8x2048xf32, #tpu.memory_space<hbm>>, %arg5: memref<8x2048xf32, #tpu.memory_space<hbm>>, %arg6: memref<8x16xi32, #tpu.memory_space<hbm>>, %arg7: memref<2048xf32, #tpu.memory_space<vmem>>, %arg8: memref<2048xi32, #tpu.memory_space<vmem>>, %arg9: memref<2048xf32, #tpu.memory_space<vmem>>, %arg10: memref<2048xf32, #tpu.memory_space<vmem>>, %arg11: memref<16xi32, #tpu.memory_space<vmem>>) attributes {dimension_semantics = [#tpu.dimension_semantics<core_parallel>, #tpu.dimension_semantics<subcore_parallel>], iteration_bounds = array<i64: 2, 16>, scalar_prefetch = 0 : i64, scratch_operands = 5 : i64, tpu.core_type = #tpu.core_type<sc_vector_subcore>, window_params = [{transform_indices = #map}, {transform_indices = #map}, {transform_indices = #map}, {transform_indices = #map}, {transform_indices = #map}]} {
    %mul3A = arith.constant 2 : i32
    %mul3A_0 = arith.muli %arg1, %mul3A : i32
    %add3A = arith.addi %mul3A_0, %arg0 : i32
    %lt3A = arith.constant 8 : i32
    %lt3A_1 = arith.cmpi slt, %add3A, %lt3A : i32
    %convert_element_type3A = arith.extui %lt3A_1 : i1 to i32
    %cond3A = arith.constant 0 : i32
    %cond3A_2 = arith.cmpi ne, %convert_element_type3A, %cond3A : i32
    scf.if %cond3A_2 {
      "tpu.region"() ({
        %run_scoped3A = tpu.sem_alloc : memref<!tpu.dma_semaphore, #tpu.memory_space<semaphore_mem>>
        %dma_start3A = arith.constant 0 : i32
        %dma_start3A_17 = tpu.memref_slice %arg2[%add3A, %dma_start3A] : memref<8x2048xf32, #tpu.memory_space<hbm>> -> memref<1x2048xf32, #tpu.memory_space<hbm>>
        %dma_start3A_18 = tpu.memref_squeeze %dma_start3A_17 : memref<1x2048xf32, #tpu.memory_space<hbm>> -> memref<2048xf32, #tpu.memory_space<hbm>>
        %dma_start3A_19 = arith.constant 0 : i32
        %dma_start3A_20 = tpu.memref_slice %arg2[%add3A, %dma_start3A_19] : memref<8x2048xf32, #tpu.memory_space<hbm>> -> memref<1x2048xf32, #tpu.memory_space<hbm>>
        %dma_start3A_21 = tpu.memref_squeeze %dma_start3A_20 : memref<1x2048xf32, #tpu.memory_space<hbm>> -> memref<2048xf32, #tpu.memory_space<hbm>>
        tpu.enqueue_dma source(%dma_start3A_21 : memref<2048xf32, #tpu.memory_space<hbm>>) target(%arg7 : memref<2048xf32, #tpu.memory_space<vmem>>) target_semaphore(%run_scoped3A : memref<!tpu.dma_semaphore, #tpu.memory_space<semaphore_mem>>)
        %dma_wait3A = arith.constant 0 : i32
        %dma_wait3A_22 = tpu.memref_slice %arg2[%add3A, %dma_wait3A] : memref<8x2048xf32, #tpu.memory_space<hbm>> -> memref<1x2048xf32, #tpu.memory_space<hbm>>
        %dma_wait3A_23 = tpu.memref_squeeze %dma_wait3A_22 : memref<1x2048xf32, #tpu.memory_space<hbm>> -> memref<2048xf32, #tpu.memory_space<hbm>>
        %dma_wait3A_24 = arith.constant 0 : i32
        %dma_wait3A_25 = tpu.memref_slice %arg2[%add3A, %dma_wait3A_24] : memref<8x2048xf32, #tpu.memory_space<hbm>> -> memref<1x2048xf32, #tpu.memory_space<hbm>>
        %dma_wait3A_26 = tpu.memref_squeeze %dma_wait3A_25 : memref<1x2048xf32, #tpu.memory_space<hbm>> -> memref<2048xf32, #tpu.memory_space<hbm>>
        tpu.wait_dma2 semaphore(%run_scoped3A : memref<!tpu.dma_semaphore, #tpu.memory_space<semaphore_mem>>) src(%dma_wait3A_26 : memref<2048xf32, #tpu.memory_space<hbm>>) dst(%arg7 : memref<2048xf32, #tpu.memory_space<vmem>>)
        tpu.yield
      }) : () -> ()
      "tpu.region"() ({
        %run_scoped3A = tpu.sem_alloc : memref<!tpu.dma_semaphore, #tpu.memory_space<semaphore_mem>>
        %dma_start3A = arith.constant 0 : i32
        %dma_start3A_17 = tpu.memref_slice %arg3[%add3A, %dma_start3A] : memref<8x2048xi32, #tpu.memory_space<hbm>> -> memref<1x2048xi32, #tpu.memory_space<hbm>>
        %dma_start3A_18 = tpu.memref_squeeze %dma_start3A_17 : memref<1x2048xi32, #tpu.memory_space<hbm>> -> memref<2048xi32, #tpu.memory_space<hbm>>
        %dma_start3A_19 = arith.constant 0 : i32
        %dma_start3A_20 = tpu.memref_slice %arg3[%add3A, %dma_start3A_19] : memref<8x2048xi32, #tpu.memory_space<hbm>> -> memref<1x2048xi32, #tpu.memory_space<hbm>>
        %dma_start3A_21 = tpu.memref_squeeze %dma_start3A_20 : memref<1x2048xi32, #tpu.memory_space<hbm>> -> memref<2048xi32, #tpu.memory_space<hbm>>
        tpu.enqueue_dma source(%dma_start3A_21 : memref<2048xi32, #tpu.memory_space<hbm>>) target(%arg8 : memref<2048xi32, #tpu.memory_space<vmem>>) target_semaphore(%run_scoped3A : memref<!tpu.dma_semaphore, #tpu.memory_space<semaphore_mem>>)
        %dma_wait3A = arith.constant 0 : i32
        %dma_wait3A_22 = tpu.memref_slice %arg3[%add3A, %dma_wait3A] : memref<8x2048xi32, #tpu.memory_space<hbm>> -> memref<1x2048xi32, #tpu.memory_space<hbm>>
        %dma_wait3A_23 = tpu.memref_squeeze %dma_wait3A_22 : memref<1x2048xi32, #tpu.memory_space<hbm>> -> memref<2048xi32, #tpu.memory_space<hbm>>
        %dma_wait3A_24 = arith.constant 0 : i32
        %dma_wait3A_25 = tpu.memref_slice %arg3[%add3A, %dma_wait3A_24] : memref<8x2048xi32, #tpu.memory_space<hbm>> -> memref<1x2048xi32, #tpu.memory_space<hbm>>
        %dma_wait3A_26 = tpu.memref_squeeze %dma_wait3A_25 : memref<1x2048xi32, #tpu.memory_space<hbm>> -> memref<2048xi32, #tpu.memory_space<hbm>>
        tpu.wait_dma2 semaphore(%run_scoped3A : memref<!tpu.dma_semaphore, #tpu.memory_space<semaphore_mem>>) src(%dma_wait3A_26 : memref<2048xi32, #tpu.memory_space<hbm>>) dst(%arg8 : memref<2048xi32, #tpu.memory_space<vmem>>)
        tpu.yield
      }) : () -> ()
      %scan3A = arith.constant 0 : i32
      %scan3A_3 = arith.constant 0 : i32
      %scan3A_4 = arith.constant 128 : i32
      %scan3A_5 = arith.addi %scan3A_3, %scan3A_4 : i32
      %scan3A_6 = arith.constant 1 : i32
      scf.for %scan3A_17 = %scan3A_3 to %scan3A_5 step %scan3A_6  : i32 {
        %broadcast_in_dim3A_18 = arith.constant 0.000000e+00 : f32
        %broadcast_in_dim3A_19 = vector.broadcast %broadcast_in_dim3A_18 : f32 to vector<16xf32>
        %mul3A_20 = arith.constant 16 : i32
        %mul3A_21 = arith.muli %scan3A_17, %mul3A_20 : i32
        %swap3A_22 = arith.index_cast %mul3A_21 : i32 to index
        %swap3A_23 = tpu.vector_load %arg9[%swap3A_22] {strides = array<i32>} : memref<2048xf32, #tpu.memory_space<vmem>>, vector<16xf32>,
        tpu.vector_store %arg9[%swap3A_22], %broadcast_in_dim3A_19 {strides = array<i32>} : memref<2048xf32, #tpu.memory_space<vmem>>, vector<16xf32>,
        %broadcast_in_dim3A_24 = arith.constant 0.000000e+00 : f32
        %broadcast_in_dim3A_25 = vector.broadcast %broadcast_in_dim3A_24 : f32 to vector<16xf32>
        %mul3A_26 = arith.constant 16 : i32
        %mul3A_27 = arith.muli %scan3A_17, %mul3A_26 : i32
        %swap3A_28 = arith.index_cast %mul3A_27 : i32 to index
        %swap3A_29 = tpu.vector_load %arg10[%swap3A_28] {strides = array<i32>} : memref<2048xf32, #tpu.memory_space<vmem>>, vector<16xf32>,
        tpu.vector_store %arg10[%swap3A_28], %broadcast_in_dim3A_25 {strides = array<i32>} : memref<2048xf32, #tpu.memory_space<vmem>>, vector<16xf32>,
      }
      %scan3A_7 = arith.constant 128 : i32
      %iota3A = tpu.iota {dimensions = array<i32: 0>} : vector<16xi32>
      %scan3A_8 = arith.constant 0 : i32
      %scan3A_9 = arith.constant 0 : i32
      %scan3A_10 = arith.constant 0 : i32
      %scan3A_11 = arith.constant 128 : i32
      %scan3A_12 = arith.addi %scan3A_10, %scan3A_11 : i32
      %scan3A_13 = arith.constant 1 : i32
      %scan3A_14:2 = scf.for %scan3A_17 = %scan3A_10 to %scan3A_12 step %scan3A_13 iter_args(%scan3A_18 = %scan3A_8, %scan3A_19 = %scan3A_9) -> (i32, i32)  : i32 {
        %mul3A_20 = arith.constant 16 : i32
        %mul3A_21 = arith.muli %scan3A_17, %mul3A_20 : i32
        %get3A = arith.index_cast %mul3A_21 : i32 to index
        %get3A_22 = tpu.vector_load %arg7[%get3A] {strides = array<i32>} : memref<2048xf32, #tpu.memory_space<vmem>>, vector<16xf32>,
        %mul3A_23 = arith.constant 16 : i32
        %mul3A_24 = arith.muli %scan3A_17, %mul3A_23 : i32
        %get3A_25 = arith.index_cast %mul3A_24 : i32 to index
        %get3A_26 = tpu.vector_load %arg8[%get3A_25] {strides = array<i32>} : memref<2048xi32, #tpu.memory_space<vmem>>, vector<16xi32>,
        %eq3A = arith.constant 1 : i32
        %eq3A_27 = vector.broadcast %eq3A : i32 to vector<16xi32>
        %eq3A_28 = arith.cmpi eq, %get3A_26, %eq3A_27 : vector<16xi32>
        %jit3A = arith.constant 1 : i32
        %jit3A_29 = arith.constant 0 : i32
        %broadcast_in_dim3A_30 = vector.broadcast %jit3A : i32 to vector<16xi32>
        %broadcast_in_dim3A_31 = vector.broadcast %jit3A_29 : i32 to vector<16xi32>
        %select_n3A = arith.select %eq3A_28, %broadcast_in_dim3A_30, %broadcast_in_dim3A_31 : vector<16xi1>, vector<16xi32>
        %broadcast_in_dim3A_32 = arith.constant true
        %broadcast_in_dim3A_33 = vector.broadcast %broadcast_in_dim3A_32 : i1 to vector<16xi1>
        %masked_cumsum3A = tpu.scan <sum>, %select_n3A masked %broadcast_in_dim3A_33 : vector<16xi32>, vector<16xi1> -> vector<16xi32>
        %sub3A = arith.subi %masked_cumsum3A, %select_n3A : vector<16xi32>
        %reduce_sum3A = arith.constant true
        %reduce_sum3A_34 = vector.broadcast %reduce_sum3A : i1 to vector<16xi1>
        %reduce_sum3A_35 = tpu.scan <sum>, %select_n3A masked %reduce_sum3A_34 : vector<16xi32>, vector<16xi1> -> vector<16xi32>
        %reduce_sum3A_36 = vector.extract %reduce_sum3A_35[15] : i32 from vector<16xi32>
        %broadcast_in_dim3A_37 = vector.broadcast %scan3A_18 : i32 to vector<16xi32>
        %add3A_38 = arith.addi %broadcast_in_dim3A_37, %sub3A : vector<16xi32>
        %broadcast_in_dim3A_39 = vector.broadcast %scan3A_19 : i32 to vector<16xi32>
        %sub3A_40 = arith.subi %iota3A, %sub3A : vector<16xi32>
        %add3A_41 = arith.addi %broadcast_in_dim3A_39, %sub3A_40 : vector<16xi32>
        %max3A = arith.constant -4.400000e+01 : f32
        %max3A_42 = vector.broadcast %max3A : f32 to vector<16xf32>
        %max3A_43 = arith.maximumf %get3A_22, %max3A_42 : vector<16xf32>
        %min3A = arith.constant 4.400000e+01 : f32
        %min3A_44 = vector.broadcast %min3A : f32 to vector<16xf32>
        %min3A_45 = arith.minimumf %max3A_43, %min3A_44 : vector<16xf32>
        %mul3A_46 = arith.constant 1.000000e+00 : f32
        %mul3A_47 = vector.broadcast %mul3A_46 : f32 to vector<16xf32>
        %mul3A_48 = arith.mulf %min3A_45, %mul3A_47 : vector<16xf32>
        %neg3A = arith.constant 0.000000e+00 : f32
        %neg3A_49 = vector.broadcast %neg3A : f32 to vector<16xf32>
        %neg3A_50 = arith.subf %neg3A_49, %mul3A_48 : vector<16xf32>
        %exp3A = math.exp %neg3A_50 : vector<16xf32>
        tpu.vector_store_idx %arg9[%add3A_38], %exp3A masked %eq3A_28 : memref<2048xf32, #tpu.memory_space<vmem>>[vector<16xi32>], vector<16xf32>, vector<16xi1>
        %exp3A_51 = math.exp %mul3A_48 : vector<16xf32>
        %not3A = arith.constant dense<true> : vector<16xi1>
        %not3A_52 = arith.xori %eq3A_28, %not3A : vector<16xi1>
        tpu.vector_store_idx %arg10[%add3A_41], %exp3A_51 masked %not3A_52 : memref<2048xf32, #tpu.memory_space<vmem>>[vector<16xi32>], vector<16xf32>, vector<16xi1>
        %add3A_53 = arith.addi %scan3A_18, %reduce_sum3A_36 : i32
        %sub3A_54 = arith.constant 16 : i32
        %sub3A_55 = arith.subi %sub3A_54, %reduce_sum3A_36 : i32
        %add3A_56 = arith.addi %scan3A_19, %sub3A_55 : i32
        scf.yield %add3A_53, %add3A_56 : i32, i32
      }
      %scan3A_15 = arith.constant 128 : i32
      %broadcast_in_dim3A = vector.broadcast %scan3A_14#0 : i32 to vector<16xi32>
      %swap3A = arith.constant 0 : index
      %swap3A_16 = tpu.vector_load %arg11[%swap3A] {strides = array<i32>} : memref<16xi32, #tpu.memory_space<vmem>>, vector<16xi32>,
      tpu.vector_store %arg11[%swap3A], %broadcast_in_dim3A {strides = array<i32>} : memref<16xi32, #tpu.memory_space<vmem>>, vector<16xi32>,
      "tpu.region"() ({
        %run_scoped3A = tpu.sem_alloc : memref<!tpu.dma_semaphore, #tpu.memory_space<semaphore_mem>>
        %dma_start3A = arith.constant 0 : i32
        %dma_start3A_17 = tpu.memref_slice %arg4[%add3A, %dma_start3A] : memref<8x2048xf32, #tpu.memory_space<hbm>> -> memref<1x2048xf32, #tpu.memory_space<hbm>>
        %dma_start3A_18 = tpu.memref_squeeze %dma_start3A_17 : memref<1x2048xf32, #tpu.memory_space<hbm>> -> memref<2048xf32, #tpu.memory_space<hbm>>
        %dma_start3A_19 = arith.constant 0 : i32
        %dma_start3A_20 = tpu.memref_slice %arg4[%add3A, %dma_start3A_19] : memref<8x2048xf32, #tpu.memory_space<hbm>> -> memref<1x2048xf32, #tpu.memory_space<hbm>>
        %dma_start3A_21 = tpu.memref_squeeze %dma_start3A_20 : memref<1x2048xf32, #tpu.memory_space<hbm>> -> memref<2048xf32, #tpu.memory_space<hbm>>
        tpu.enqueue_dma source(%arg9 : memref<2048xf32, #tpu.memory_space<vmem>>) target(%dma_start3A_21 : memref<2048xf32, #tpu.memory_space<hbm>>) target_semaphore(%run_scoped3A : memref<!tpu.dma_semaphore, #tpu.memory_space<semaphore_mem>>)
        %dma_wait3A = arith.constant 0 : i32
        %dma_wait3A_22 = tpu.memref_slice %arg4[%add3A, %dma_wait3A] : memref<8x2048xf32, #tpu.memory_space<hbm>> -> memref<1x2048xf32, #tpu.memory_space<hbm>>
        %dma_wait3A_23 = tpu.memref_squeeze %dma_wait3A_22 : memref<1x2048xf32, #tpu.memory_space<hbm>> -> memref<2048xf32, #tpu.memory_space<hbm>>
        %dma_wait3A_24 = arith.constant 0 : i32
        %dma_wait3A_25 = tpu.memref_slice %arg4[%add3A, %dma_wait3A_24] : memref<8x2048xf32, #tpu.memory_space<hbm>> -> memref<1x2048xf32, #tpu.memory_space<hbm>>
        %dma_wait3A_26 = tpu.memref_squeeze %dma_wait3A_25 : memref<1x2048xf32, #tpu.memory_space<hbm>> -> memref<2048xf32, #tpu.memory_space<hbm>>
        tpu.wait_dma2 semaphore(%run_scoped3A : memref<!tpu.dma_semaphore, #tpu.memory_space<semaphore_mem>>) src(%arg9 : memref<2048xf32, #tpu.memory_space<vmem>>) dst(%dma_wait3A_26 : memref<2048xf32, #tpu.memory_space<hbm>>)
        tpu.yield
      }) : () -> ()
      "tpu.region"() ({
        %run_scoped3A = tpu.sem_alloc : memref<!tpu.dma_semaphore, #tpu.memory_space<semaphore_mem>>
        %dma_start3A = arith.constant 0 : i32
        %dma_start3A_17 = tpu.memref_slice %arg5[%add3A, %dma_start3A] : memref<8x2048xf32, #tpu.memory_space<hbm>> -> memref<1x2048xf32, #tpu.memory_space<hbm>>
        %dma_start3A_18 = tpu.memref_squeeze %dma_start3A_17 : memref<1x2048xf32, #tpu.memory_space<hbm>> -> memref<2048xf32, #tpu.memory_space<hbm>>
        %dma_start3A_19 = arith.constant 0 : i32
        %dma_start3A_20 = tpu.memref_slice %arg5[%add3A, %dma_start3A_19] : memref<8x2048xf32, #tpu.memory_space<hbm>> -> memref<1x2048xf32, #tpu.memory_space<hbm>>
        %dma_start3A_21 = tpu.memref_squeeze %dma_start3A_20 : memref<1x2048xf32, #tpu.memory_space<hbm>> -> memref<2048xf32, #tpu.memory_space<hbm>>
        tpu.enqueue_dma source(%arg10 : memref<2048xf32, #tpu.memory_space<vmem>>) target(%dma_start3A_21 : memref<2048xf32, #tpu.memory_space<hbm>>) target_semaphore(%run_scoped3A : memref<!tpu.dma_semaphore, #tpu.memory_space<semaphore_mem>>)
        %dma_wait3A = arith.constant 0 : i32
        %dma_wait3A_22 = tpu.memref_slice %arg5[%add3A, %dma_wait3A] : memref<8x2048xf32, #tpu.memory_space<hbm>> -> memref<1x2048xf32, #tpu.memory_space<hbm>>
        %dma_wait3A_23 = tpu.memref_squeeze %dma_wait3A_22 : memref<1x2048xf32, #tpu.memory_space<hbm>> -> memref<2048xf32, #tpu.memory_space<hbm>>
        %dma_wait3A_24 = arith.constant 0 : i32
        %dma_wait3A_25 = tpu.memref_slice %arg5[%add3A, %dma_wait3A_24] : memref<8x2048xf32, #tpu.memory_space<hbm>> -> memref<1x2048xf32, #tpu.memory_space<hbm>>
        %dma_wait3A_26 = tpu.memref_squeeze %dma_wait3A_25 : memref<1x2048xf32, #tpu.memory_space<hbm>> -> memref<2048xf32, #tpu.memory_space<hbm>>
        tpu.wait_dma2 semaphore(%run_scoped3A : memref<!tpu.dma_semaphore, #tpu.memory_space<semaphore_mem>>) src(%arg10 : memref<2048xf32, #tpu.memory_space<vmem>>) dst(%dma_wait3A_26 : memref<2048xf32, #tpu.memory_space<hbm>>)
        tpu.yield
      }) : () -> ()
      "tpu.region"() ({
        %run_scoped3A = tpu.sem_alloc : memref<!tpu.dma_semaphore, #tpu.memory_space<semaphore_mem>>
        %dma_start3A = arith.constant 0 : i32
        %dma_start3A_17 = tpu.memref_slice %arg6[%add3A, %dma_start3A] : memref<8x16xi32, #tpu.memory_space<hbm>> -> memref<1x16xi32, #tpu.memory_space<hbm>>
        %dma_start3A_18 = tpu.memref_squeeze %dma_start3A_17 : memref<1x16xi32, #tpu.memory_space<hbm>> -> memref<16xi32, #tpu.memory_space<hbm>>
        %dma_start3A_19 = arith.constant 0 : i32
        %dma_start3A_20 = tpu.memref_slice %arg6[%add3A, %dma_start3A_19] : memref<8x16xi32, #tpu.memory_space<hbm>> -> memref<1x16xi32, #tpu.memory_space<hbm>>
        %dma_start3A_21 = tpu.memref_squeeze %dma_start3A_20 : memref<1x16xi32, #tpu.memory_space<hbm>> -> memref<16xi32, #tpu.memory_space<hbm>>
        tpu.enqueue_dma source(%arg11 : memref<16xi32, #tpu.memory_space<vmem>>) target(%dma_start3A_21 : memref<16xi32, #tpu.memory_space<hbm>>) target_semaphore(%run_scoped3A : memref<!tpu.dma_semaphore, #tpu.memory_space<semaphore_mem>>)
        %dma_wait3A = arith.constant 0 : i32
        %dma_wait3A_22 = tpu.memref_slice %arg6[%add3A, %dma_wait3A] : memref<8x16xi32, #tpu.memory_space<hbm>> -> memref<1x16xi32, #tpu.memory_space<hbm>>
        %dma_wait3A_23 = tpu.memref_squeeze %dma_wait3A_22 : memref<1x16xi32, #tpu.memory_space<hbm>> -> memref<16xi32, #tpu.memory_space<hbm>>
        %dma_wait3A_24 = arith.constant 0 : i32
        %dma_wait3A_25 = tpu.memref_slice %arg6[%add3A, %dma_wait3A_24] : memref<8x16xi32, #tpu.memory_space<hbm>> -> memref<1x16xi32, #tpu.memory_space<hbm>>
        %dma_wait3A_26 = tpu.memref_squeeze %dma_wait3A_25 : memref<1x16xi32, #tpu.memory_space<hbm>> -> memref<16xi32, #tpu.memory_space<hbm>>
        tpu.wait_dma2 semaphore(%run_scoped3A : memref<!tpu.dma_semaphore, #tpu.memory_space<semaphore_mem>>) src(%arg11 : memref<16xi32, #tpu.memory_space<vmem>>) dst(%dma_wait3A_26 : memref<16xi32, #tpu.memory_space<hbm>>)
        tpu.yield
      }) : () -> ()
    } else {
    }
    return
  }
}

module attributes {stable_mosaic.version = 14 : i64} {
  func.func @_pair_kernel(%arg0: memref<8x16xi32, #tpu.memory_space<smem>>, %arg1: memref<2048x8xf32, #tpu.memory_space<vmem>>, %arg2: memref<32x1x512xf32, #tpu.memory_space<vmem>>, %arg3: memref<1x1xf32, #tpu.memory_space<smem>>, %arg4: memref<1x1xf32, #tpu.memory_space<smem>>, %arg5: memref<256x512xf32, #tpu.memory_space<vmem>>) attributes {dimension_semantics = [], scalar_prefetch = 0 : i64, scratch_operands = 1 : i64, tpu.core_type = #tpu.core_type<tc>} {
    %broadcast_in_dim3A = arith.constant 0.000000e+00 : f32
    %broadcast_in_dim3A_0 = vector.broadcast %broadcast_in_dim3A : f32 to vector<256x512xf32>
    %swap3A = arith.constant 0 : index
    %swap3A_1 = arith.constant 0 : index
    %swap3A_2 = vector.load %arg5[%swap3A, %swap3A_1] : memref<256x512xf32, #tpu.memory_space<vmem>>, vector<256x512xf32>
    tpu.vector_store %arg5[%swap3A, %swap3A_1], %broadcast_in_dim3A_0 {strides = array<i32>} : memref<256x512xf32, #tpu.memory_space<vmem>>, vector<256x512xf32>,
    %get3A = arith.constant 0 : index
    %get3A_3 = arith.constant 0 : index
    %get3A_4 = memref.load %arg0[%get3A, %get3A_3] : memref<8x16xi32, #tpu.memory_space<smem>>
    %sub3A = arith.constant 2048 : i32
    %sub3A_5 = arith.subi %sub3A, %get3A_4 : i32
    %mul3A = arith.muli %get3A_4, %sub3A_5 : i32
    %convert_element_type3A = arith.sitofp %mul3A : i32 to f32
    %add3A = arith.constant 0.000000e+00 : f32
    %add3A_6 = arith.addf %add3A, %convert_element_type3A : f32
    %add3A_7 = arith.constant 256 : i32
    %add3A_8 = arith.addi %get3A_4, %add3A_7 : i32
    %sub3A_9 = arith.constant 1 : i32
    %sub3A_10 = arith.subi %add3A_8, %sub3A_9 : i32
    %jit3A = arith.constant 256 : i32
    %div3A = arith.divsi %sub3A_10, %jit3A : i32
    %sign3A = arith.constant 0 : i32
    %sign3A_11 = arith.cmpi sgt, %sub3A_10, %sign3A : i32
    %sign3A_12 = arith.extui %sign3A_11 : i1 to i32
    %sign3A_13 = arith.constant 0 : i32
    %sign3A_14 = arith.cmpi slt, %sub3A_10, %sign3A_13 : i32
    %sign3A_15 = arith.extui %sign3A_14 : i1 to i32
    %sign3A_16 = arith.subi %sign3A_12, %sign3A_15 : i32
    %sign3A_17 = arith.constant 0 : i32
    %sign3A_18 = arith.cmpi sgt, %jit3A, %sign3A_17 : i32
    %sign3A_19 = arith.extui %sign3A_18 : i1 to i32
    %sign3A_20 = arith.constant 0 : i32
    %sign3A_21 = arith.cmpi slt, %jit3A, %sign3A_20 : i32
    %sign3A_22 = arith.extui %sign3A_21 : i1 to i32
    %sign3A_23 = arith.subi %sign3A_19, %sign3A_22 : i32
    %ne3A = arith.cmpi ne, %sign3A_16, %sign3A_23 : i32
    %rem3A = arith.remsi %sub3A_10, %jit3A : i32
    %ne3A_24 = arith.constant 0 : i32
    %ne3A_25 = arith.cmpi ne, %rem3A, %ne3A_24 : i32
    %and3A = arith.andi %ne3A, %ne3A_25 : i1
    %sub3A_26 = arith.constant 1 : i32
    %sub3A_27 = arith.subi %div3A, %sub3A_26 : i32
    %select_n3A = arith.select %and3A, %sub3A_27, %div3A : i32
    %add3A_28 = arith.constant 512 : i32
    %add3A_29 = arith.addi %sub3A_5, %add3A_28 : i32
    %sub3A_30 = arith.constant 1 : i32
    %sub3A_31 = arith.subi %add3A_29, %sub3A_30 : i32
    %jit3A_32 = arith.constant 512 : i32
    %div3A_33 = arith.divsi %sub3A_31, %jit3A_32 : i32
    %sign3A_34 = arith.constant 0 : i32
    %sign3A_35 = arith.cmpi sgt, %sub3A_31, %sign3A_34 : i32
    %sign3A_36 = arith.extui %sign3A_35 : i1 to i32
    %sign3A_37 = arith.constant 0 : i32
    %sign3A_38 = arith.cmpi slt, %sub3A_31, %sign3A_37 : i32
    %sign3A_39 = arith.extui %sign3A_38 : i1 to i32
    %sign3A_40 = arith.subi %sign3A_36, %sign3A_39 : i32
    %sign3A_41 = arith.constant 0 : i32
    %sign3A_42 = arith.cmpi sgt, %jit3A_32, %sign3A_41 : i32
    %sign3A_43 = arith.extui %sign3A_42 : i1 to i32
    %sign3A_44 = arith.constant 0 : i32
    %sign3A_45 = arith.cmpi slt, %jit3A_32, %sign3A_44 : i32
    %sign3A_46 = arith.extui %sign3A_45 : i1 to i32
    %sign3A_47 = arith.subi %sign3A_43, %sign3A_46 : i32
    %ne3A_48 = arith.cmpi ne, %sign3A_40, %sign3A_47 : i32
    %rem3A_49 = arith.remsi %sub3A_31, %jit3A_32 : i32
    %ne3A_50 = arith.constant 0 : i32
    %ne3A_51 = arith.cmpi ne, %rem3A_49, %ne3A_50 : i32
    %and3A_52 = arith.andi %ne3A_48, %ne3A_51 : i1
    %sub3A_53 = arith.constant 1 : i32
    %sub3A_54 = arith.subi %div3A_33, %sub3A_53 : i32
    %select_n3A_55 = arith.select %and3A_52, %sub3A_54, %div3A_33 : i32
    %while3A = arith.constant 0 : i32
    %while3A_56 = arith.constant 0 : i32
    %while3A_57 = arith.subi %select_n3A, %while3A_56 : i32
    %while3A_58 = arith.addi %while3A_56, %while3A_57 : i32
    %while3A_59 = arith.constant 1 : i32
    %while3A_60 = arith.divsi %while3A_57, %while3A_59 : i32
    %while3A_61 = arith.muli %while3A_60, %while3A_59 : i32
    %while3A_62 = arith.addi %while3A_56, %while3A_61 : i32
    %while3A_63 = arith.constant 1 : i32
    scf.for %while3A_598 = %while3A_56 to %while3A_62 step %while3A_63  : i32 {
      %mul3A_599 = arith.constant 256 : i32
      %mul3A_600 = arith.muli %while3A_598, %mul3A_599 : i32
      %get3A_601 = arith.index_cast %mul3A_600 : i32 to index
      %get3A_602 = arith.constant 0 : index
      %get3A_603 = vector.load %arg1[%get3A_601, %get3A_602] : memref<2048x8xf32, #tpu.memory_space<vmem>>, vector<256x1xf32>
      %while3A_604 = arith.constant 0 : i32
      %while3A_605 = arith.subi %select_n3A_55, %while3A_604 : i32
      %while3A_606 = arith.addi %while3A_604, %while3A_605 : i32
      %while3A_607 = arith.constant 1 : i32
      %while3A_608 = arith.divsi %while3A_605, %while3A_607 : i32
      %while3A_609 = arith.muli %while3A_608, %while3A_607 : i32
      %while3A_610 = arith.addi %while3A_604, %while3A_609 : i32
      %while3A_611 = arith.constant 1 : i32
      scf.for %while3A_613 = %while3A_604 to %while3A_610 step %while3A_611  : i32 {
        %add3A_614 = arith.constant 0 : i32
        %add3A_615 = arith.addi %add3A_614, %while3A_613 : i32
        %get3A_616 = arith.index_cast %add3A_615 : i32 to index
        %get3A_617 = arith.constant 0 : index
        %get3A_618 = arith.constant 0 : index
        %get3A_619 = vector.load %arg2[%get3A_616, %get3A_617, %get3A_618] : memref<32x1x512xf32, #tpu.memory_space<vmem>>, vector<1x1x512xf32>
        %reshape3A = vector.shape_cast %get3A_619 : vector<1x1x512xf32> to vector<1x512xf32>
        %mul3A_620 = vector.broadcast %reshape3A : vector<1x512xf32> to vector<256x512xf32>
        %mul3A_621 = vector.broadcast %get3A_603 : vector<256x1xf32> to vector<256x512xf32>
        %mul3A_622 = arith.mulf %mul3A_620, %mul3A_621 : vector<256x512xf32>
        %add3A_623 = arith.constant 1.000000e+00 : f32
        %add3A_624 = vector.broadcast %add3A_623 : f32 to vector<256x512xf32>
        %add3A_625 = arith.addf %add3A_624, %mul3A_622 : vector<256x512xf32>
        %log3A = math.log %add3A_625 : vector<256x512xf32>
        %log3A_626 = arith.constant 2.000000e+00 : f32
        %log3A_627 = math.log %log3A_626 : f32
        %div3A_628 = vector.broadcast %log3A_627 : f32 to vector<256x512xf32>
        %div3A_629 = arith.divf %log3A, %div3A_628 : vector<256x512xf32>
        %get3A_630 = arith.constant 0 : index
        %get3A_631 = arith.constant 0 : index
        %get3A_632 = vector.load %arg5[%get3A_630, %get3A_631] : memref<256x512xf32, #tpu.memory_space<vmem>>, vector<256x512xf32>
        %add3A_633 = arith.addf %get3A_632, %div3A_629 : vector<256x512xf32>
        %swap3A_634 = arith.constant 0 : index
        %swap3A_635 = arith.constant 0 : index
        %swap3A_636 = vector.load %arg5[%swap3A_634, %swap3A_635] : memref<256x512xf32, #tpu.memory_space<vmem>>, vector<256x512xf32>
        tpu.vector_store %arg5[%swap3A_634, %swap3A_635], %add3A_633 {strides = array<i32>} : memref<256x512xf32, #tpu.memory_space<vmem>>, vector<256x512xf32>,
      }
      %while3A_612 = arith.constant 1 : i32
      scf.for %while3A_613 = %while3A_610 to %while3A_606 step %while3A_612  : i32 {
        %add3A_614 = arith.constant 0 : i32
        %add3A_615 = arith.addi %add3A_614, %while3A_613 : i32
        %get3A_616 = arith.index_cast %add3A_615 : i32 to index
        %get3A_617 = arith.constant 0 : index
        %get3A_618 = arith.constant 0 : index
        %get3A_619 = vector.load %arg2[%get3A_616, %get3A_617, %get3A_618] : memref<32x1x512xf32, #tpu.memory_space<vmem>>, vector<1x1x512xf32>
        %reshape3A = vector.shape_cast %get3A_619 : vector<1x1x512xf32> to vector<1x512xf32>
        %mul3A_620 = vector.broadcast %reshape3A : vector<1x512xf32> to vector<256x512xf32>
        %mul3A_621 = vector.broadcast %get3A_603 : vector<256x1xf32> to vector<256x512xf32>
        %mul3A_622 = arith.mulf %mul3A_620, %mul3A_621 : vector<256x512xf32>
        %add3A_623 = arith.constant 1.000000e+00 : f32
        %add3A_624 = vector.broadcast %add3A_623 : f32 to vector<256x512xf32>
        %add3A_625 = arith.addf %add3A_624, %mul3A_622 : vector<256x512xf32>
        %log3A = math.log %add3A_625 : vector<256x512xf32>
        %log3A_626 = arith.constant 2.000000e+00 : f32
        %log3A_627 = math.log %log3A_626 : f32
        %div3A_628 = vector.broadcast %log3A_627 : f32 to vector<256x512xf32>
        %div3A_629 = arith.divf %log3A, %div3A_628 : vector<256x512xf32>
        %get3A_630 = arith.constant 0 : index
        %get3A_631 = arith.constant 0 : index
        %get3A_632 = vector.load %arg5[%get3A_630, %get3A_631] : memref<256x512xf32, #tpu.memory_space<vmem>>, vector<256x512xf32>
        %add3A_633 = arith.addf %get3A_632, %div3A_629 : vector<256x512xf32>
        %swap3A_634 = arith.constant 0 : index
        %swap3A_635 = arith.constant 0 : index
        %swap3A_636 = vector.load %arg5[%swap3A_634, %swap3A_635] : memref<256x512xf32, #tpu.memory_space<vmem>>, vector<256x512xf32>
        tpu.vector_store %arg5[%swap3A_634, %swap3A_635], %add3A_633 {strides = array<i32>} : memref<256x512xf32, #tpu.memory_space<vmem>>, vector<256x512xf32>,
      }
    }
    %while3A_64 = arith.constant 1 : i32
    scf.for %while3A_598 = %while3A_62 to %while3A_58 step %while3A_64  : i32 {
      %mul3A_599 = arith.constant 256 : i32
      %mul3A_600 = arith.muli %while3A_598, %mul3A_599 : i32
      %get3A_601 = arith.index_cast %mul3A_600 : i32 to index
      %get3A_602 = arith.constant 0 : index
      %get3A_603 = vector.load %arg1[%get3A_601, %get3A_602] : memref<2048x8xf32, #tpu.memory_space<vmem>>, vector<256x1xf32>
      %while3A_604 = arith.constant 0 : i32
      %while3A_605 = arith.subi %select_n3A_55, %while3A_604 : i32
      %while3A_606 = arith.addi %while3A_604, %while3A_605 : i32
      %while3A_607 = arith.constant 1 : i32
      %while3A_608 = arith.divsi %while3A_605, %while3A_607 : i32
      %while3A_609 = arith.muli %while3A_608, %while3A_607 : i32
      %while3A_610 = arith.addi %while3A_604, %while3A_609 : i32
      %while3A_611 = arith.constant 1 : i32
      scf.for %while3A_613 = %while3A_604 to %while3A_610 step %while3A_611  : i32 {
        %add3A_614 = arith.constant 0 : i32
        %add3A_615 = arith.addi %add3A_614, %while3A_613 : i32
        %get3A_616 = arith.index_cast %add3A_615 : i32 to index
        %get3A_617 = arith.constant 0 : index
        %get3A_618 = arith.constant 0 : index
        %get3A_619 = vector.load %arg2[%get3A_616, %get3A_617, %get3A_618] : memref<32x1x512xf32, #tpu.memory_space<vmem>>, vector<1x1x512xf32>
        %reshape3A = vector.shape_cast %get3A_619 : vector<1x1x512xf32> to vector<1x512xf32>
        %mul3A_620 = vector.broadcast %reshape3A : vector<1x512xf32> to vector<256x512xf32>
        %mul3A_621 = vector.broadcast %get3A_603 : vector<256x1xf32> to vector<256x512xf32>
        %mul3A_622 = arith.mulf %mul3A_620, %mul3A_621 : vector<256x512xf32>
        %add3A_623 = arith.constant 1.000000e+00 : f32
        %add3A_624 = vector.broadcast %add3A_623 : f32 to vector<256x512xf32>
        %add3A_625 = arith.addf %add3A_624, %mul3A_622 : vector<256x512xf32>
        %log3A = math.log %add3A_625 : vector<256x512xf32>
        %log3A_626 = arith.constant 2.000000e+00 : f32
        %log3A_627 = math.log %log3A_626 : f32
        %div3A_628 = vector.broadcast %log3A_627 : f32 to vector<256x512xf32>
        %div3A_629 = arith.divf %log3A, %div3A_628 : vector<256x512xf32>
        %get3A_630 = arith.constant 0 : index
        %get3A_631 = arith.constant 0 : index
        %get3A_632 = vector.load %arg5[%get3A_630, %get3A_631] : memref<256x512xf32, #tpu.memory_space<vmem>>, vector<256x512xf32>
        %add3A_633 = arith.addf %get3A_632, %div3A_629 : vector<256x512xf32>
        %swap3A_634 = arith.constant 0 : index
        %swap3A_635 = arith.constant 0 : index
        %swap3A_636 = vector.load %arg5[%swap3A_634, %swap3A_635] : memref<256x512xf32, #tpu.memory_space<vmem>>, vector<256x512xf32>
        tpu.vector_store %arg5[%swap3A_634, %swap3A_635], %add3A_633 {strides = array<i32>} : memref<256x512xf32, #tpu.memory_space<vmem>>, vector<256x512xf32>,
      }
      %while3A_612 = arith.constant 1 : i32
      scf.for %while3A_613 = %while3A_610 to %while3A_606 step %while3A_612  : i32 {
        %add3A_614 = arith.constant 0 : i32
        %add3A_615 = arith.addi %add3A_614, %while3A_613 : i32
        %get3A_616 = arith.index_cast %add3A_615 : i32 to index
        %get3A_617 = arith.constant 0 : index
        %get3A_618 = arith.constant 0 : index
        %get3A_619 = vector.load %arg2[%get3A_616, %get3A_617, %get3A_618] : memref<32x1x512xf32, #tpu.memory_space<vmem>>, vector<1x1x512xf32>
        %reshape3A = vector.shape_cast %get3A_619 : vector<1x1x512xf32> to vector<1x512xf32>
        %mul3A_620 = vector.broadcast %reshape3A : vector<1x512xf32> to vector<256x512xf32>
        %mul3A_621 = vector.broadcast %get3A_603 : vector<256x1xf32> to vector<256x512xf32>
        %mul3A_622 = arith.mulf %mul3A_620, %mul3A_621 : vector<256x512xf32>
        %add3A_623 = arith.constant 1.000000e+00 : f32
        %add3A_624 = vector.broadcast %add3A_623 : f32 to vector<256x512xf32>
        %add3A_625 = arith.addf %add3A_624, %mul3A_622 : vector<256x512xf32>
        %log3A = math.log %add3A_625 : vector<256x512xf32>
        %log3A_626 = arith.constant 2.000000e+00 : f32
        %log3A_627 = math.log %log3A_626 : f32
        %div3A_628 = vector.broadcast %log3A_627 : f32 to vector<256x512xf32>
        %div3A_629 = arith.divf %log3A, %div3A_628 : vector<256x512xf32>
        %get3A_630 = arith.constant 0 : index
        %get3A_631 = arith.constant 0 : index
        %get3A_632 = vector.load %arg5[%get3A_630, %get3A_631] : memref<256x512xf32, #tpu.memory_space<vmem>>, vector<256x512xf32>
        %add3A_633 = arith.addf %get3A_632, %div3A_629 : vector<256x512xf32>
        %swap3A_634 = arith.constant 0 : index
        %swap3A_635 = arith.constant 0 : index
        %swap3A_636 = vector.load %arg5[%swap3A_634, %swap3A_635] : memref<256x512xf32, #tpu.memory_space<vmem>>, vector<256x512xf32>
        tpu.vector_store %arg5[%swap3A_634, %swap3A_635], %add3A_633 {strides = array<i32>} : memref<256x512xf32, #tpu.memory_space<vmem>>, vector<256x512xf32>,
      }
    }
    %get3A_65 = arith.constant 1 : index
    %get3A_66 = arith.constant 0 : index
    %get3A_67 = memref.load %arg0[%get3A_65, %get3A_66] : memref<8x16xi32, #tpu.memory_space<smem>>
    %sub3A_68 = arith.constant 2048 : i32
    %sub3A_69 = arith.subi %sub3A_68, %get3A_67 : i32
    %mul3A_70 = arith.muli %get3A_67, %sub3A_69 : i32
    %convert_element_type3A_71 = arith.sitofp %mul3A_70 : i32 to f32
    %add3A_72 = arith.addf %add3A_6, %convert_element_type3A_71 : f32
    %add3A_73 = arith.constant 256 : i32
    %add3A_74 = arith.addi %get3A_67, %add3A_73 : i32
    %sub3A_75 = arith.constant 1 : i32
    %sub3A_76 = arith.subi %add3A_74, %sub3A_75 : i32
    %jit3A_77 = arith.constant 256 : i32
    %div3A_78 = arith.divsi %sub3A_76, %jit3A_77 : i32
    %sign3A_79 = arith.constant 0 : i32
    %sign3A_80 = arith.cmpi sgt, %sub3A_76, %sign3A_79 : i32
    %sign3A_81 = arith.extui %sign3A_80 : i1 to i32
    %sign3A_82 = arith.constant 0 : i32
    %sign3A_83 = arith.cmpi slt, %sub3A_76, %sign3A_82 : i32
    %sign3A_84 = arith.extui %sign3A_83 : i1 to i32
    %sign3A_85 = arith.subi %sign3A_81, %sign3A_84 : i32
    %sign3A_86 = arith.constant 0 : i32
    %sign3A_87 = arith.cmpi sgt, %jit3A_77, %sign3A_86 : i32
    %sign3A_88 = arith.extui %sign3A_87 : i1 to i32
    %sign3A_89 = arith.constant 0 : i32
    %sign3A_90 = arith.cmpi slt, %jit3A_77, %sign3A_89 : i32
    %sign3A_91 = arith.extui %sign3A_90 : i1 to i32
    %sign3A_92 = arith.subi %sign3A_88, %sign3A_91 : i32
    %ne3A_93 = arith.cmpi ne, %sign3A_85, %sign3A_92 : i32
    %rem3A_94 = arith.remsi %sub3A_76, %jit3A_77 : i32
    %ne3A_95 = arith.constant 0 : i32
    %ne3A_96 = arith.cmpi ne, %rem3A_94, %ne3A_95 : i32
    %and3A_97 = arith.andi %ne3A_93, %ne3A_96 : i1
    %sub3A_98 = arith.constant 1 : i32
    %sub3A_99 = arith.subi %div3A_78, %sub3A_98 : i32
    %select_n3A_100 = arith.select %and3A_97, %sub3A_99, %div3A_78 : i32
    %add3A_101 = arith.constant 512 : i32
    %add3A_102 = arith.addi %sub3A_69, %add3A_101 : i32
    %sub3A_103 = arith.constant 1 : i32
    %sub3A_104 = arith.subi %add3A_102, %sub3A_103 : i32
    %jit3A_105 = arith.constant 512 : i32
    %div3A_106 = arith.divsi %sub3A_104, %jit3A_105 : i32
    %sign3A_107 = arith.constant 0 : i32
    %sign3A_108 = arith.cmpi sgt, %sub3A_104, %sign3A_107 : i32
    %sign3A_109 = arith.extui %sign3A_108 : i1 to i32
    %sign3A_110 = arith.constant 0 : i32
    %sign3A_111 = arith.cmpi slt, %sub3A_104, %sign3A_110 : i32
    %sign3A_112 = arith.extui %sign3A_111 : i1 to i32
    %sign3A_113 = arith.subi %sign3A_109, %sign3A_112 : i32
    %sign3A_114 = arith.constant 0 : i32
    %sign3A_115 = arith.cmpi sgt, %jit3A_105, %sign3A_114 : i32
    %sign3A_116 = arith.extui %sign3A_115 : i1 to i32
    %sign3A_117 = arith.constant 0 : i32
    %sign3A_118 = arith.cmpi slt, %jit3A_105, %sign3A_117 : i32
    %sign3A_119 = arith.extui %sign3A_118 : i1 to i32
    %sign3A_120 = arith.subi %sign3A_116, %sign3A_119 : i32
    %ne3A_121 = arith.cmpi ne, %sign3A_113, %sign3A_120 : i32
    %rem3A_122 = arith.remsi %sub3A_104, %jit3A_105 : i32
    %ne3A_123 = arith.constant 0 : i32
    %ne3A_124 = arith.cmpi ne, %rem3A_122, %ne3A_123 : i32
    %and3A_125 = arith.andi %ne3A_121, %ne3A_124 : i1
    %sub3A_126 = arith.constant 1 : i32
    %sub3A_127 = arith.subi %div3A_106, %sub3A_126 : i32
    %select_n3A_128 = arith.select %and3A_125, %sub3A_127, %div3A_106 : i32
    %while3A_129 = arith.constant 0 : i32
    %while3A_130 = arith.constant 0 : i32
    %while3A_131 = arith.subi %select_n3A_100, %while3A_130 : i32
    %while3A_132 = arith.addi %while3A_130, %while3A_131 : i32
    %while3A_133 = arith.constant 1 : i32
    %while3A_134 = arith.divsi %while3A_131, %while3A_133 : i32
    %while3A_135 = arith.muli %while3A_134, %while3A_133 : i32
    %while3A_136 = arith.addi %while3A_130, %while3A_135 : i32
    %while3A_137 = arith.constant 1 : i32
    scf.for %while3A_598 = %while3A_130 to %while3A_136 step %while3A_137  : i32 {
      %mul3A_599 = arith.constant 256 : i32
      %mul3A_600 = arith.muli %while3A_598, %mul3A_599 : i32
      %get3A_601 = arith.index_cast %mul3A_600 : i32 to index
      %get3A_602 = arith.constant 1 : index
      %get3A_603 = vector.load %arg1[%get3A_601, %get3A_602] : memref<2048x8xf32, #tpu.memory_space<vmem>>, vector<256x1xf32>
      %while3A_604 = arith.constant 0 : i32
      %while3A_605 = arith.subi %select_n3A_128, %while3A_604 : i32
      %while3A_606 = arith.addi %while3A_604, %while3A_605 : i32
      %while3A_607 = arith.constant 1 : i32
      %while3A_608 = arith.divsi %while3A_605, %while3A_607 : i32
      %while3A_609 = arith.muli %while3A_608, %while3A_607 : i32
      %while3A_610 = arith.addi %while3A_604, %while3A_609 : i32
      %while3A_611 = arith.constant 1 : i32
      scf.for %while3A_613 = %while3A_604 to %while3A_610 step %while3A_611  : i32 {
        %add3A_614 = arith.constant 4 : i32
        %add3A_615 = arith.addi %add3A_614, %while3A_613 : i32
        %get3A_616 = arith.index_cast %add3A_615 : i32 to index
        %get3A_617 = arith.constant 0 : index
        %get3A_618 = arith.constant 0 : index
        %get3A_619 = vector.load %arg2[%get3A_616, %get3A_617, %get3A_618] : memref<32x1x512xf32, #tpu.memory_space<vmem>>, vector<1x1x512xf32>
        %reshape3A = vector.shape_cast %get3A_619 : vector<1x1x512xf32> to vector<1x512xf32>
        %mul3A_620 = vector.broadcast %reshape3A : vector<1x512xf32> to vector<256x512xf32>
        %mul3A_621 = vector.broadcast %get3A_603 : vector<256x1xf32> to vector<256x512xf32>
        %mul3A_622 = arith.mulf %mul3A_620, %mul3A_621 : vector<256x512xf32>
        %add3A_623 = arith.constant 1.000000e+00 : f32
        %add3A_624 = vector.broadcast %add3A_623 : f32 to vector<256x512xf32>
        %add3A_625 = arith.addf %add3A_624, %mul3A_622 : vector<256x512xf32>
        %log3A = math.log %add3A_625 : vector<256x512xf32>
        %log3A_626 = arith.constant 2.000000e+00 : f32
        %log3A_627 = math.log %log3A_626 : f32
        %div3A_628 = vector.broadcast %log3A_627 : f32 to vector<256x512xf32>
        %div3A_629 = arith.divf %log3A, %div3A_628 : vector<256x512xf32>
        %get3A_630 = arith.constant 0 : index
        %get3A_631 = arith.constant 0 : index
        %get3A_632 = vector.load %arg5[%get3A_630, %get3A_631] : memref<256x512xf32, #tpu.memory_space<vmem>>, vector<256x512xf32>
        %add3A_633 = arith.addf %get3A_632, %div3A_629 : vector<256x512xf32>
        %swap3A_634 = arith.constant 0 : index
        %swap3A_635 = arith.constant 0 : index
        %swap3A_636 = vector.load %arg5[%swap3A_634, %swap3A_635] : memref<256x512xf32, #tpu.memory_space<vmem>>, vector<256x512xf32>
        tpu.vector_store %arg5[%swap3A_634, %swap3A_635], %add3A_633 {strides = array<i32>} : memref<256x512xf32, #tpu.memory_space<vmem>>, vector<256x512xf32>,
      }
      %while3A_612 = arith.constant 1 : i32
      scf.for %while3A_613 = %while3A_610 to %while3A_606 step %while3A_612  : i32 {
        %add3A_614 = arith.constant 4 : i32
        %add3A_615 = arith.addi %add3A_614, %while3A_613 : i32
        %get3A_616 = arith.index_cast %add3A_615 : i32 to index
        %get3A_617 = arith.constant 0 : index
        %get3A_618 = arith.constant 0 : index
        %get3A_619 = vector.load %arg2[%get3A_616, %get3A_617, %get3A_618] : memref<32x1x512xf32, #tpu.memory_space<vmem>>, vector<1x1x512xf32>
        %reshape3A = vector.shape_cast %get3A_619 : vector<1x1x512xf32> to vector<1x512xf32>
        %mul3A_620 = vector.broadcast %reshape3A : vector<1x512xf32> to vector<256x512xf32>
        %mul3A_621 = vector.broadcast %get3A_603 : vector<256x1xf32> to vector<256x512xf32>
        %mul3A_622 = arith.mulf %mul3A_620, %mul3A_621 : vector<256x512xf32>
        %add3A_623 = arith.constant 1.000000e+00 : f32
        %add3A_624 = vector.broadcast %add3A_623 : f32 to vector<256x512xf32>
        %add3A_625 = arith.addf %add3A_624, %mul3A_622 : vector<256x512xf32>
        %log3A = math.log %add3A_625 : vector<256x512xf32>
        %log3A_626 = arith.constant 2.000000e+00 : f32
        %log3A_627 = math.log %log3A_626 : f32
        %div3A_628 = vector.broadcast %log3A_627 : f32 to vector<256x512xf32>
        %div3A_629 = arith.divf %log3A, %div3A_628 : vector<256x512xf32>
        %get3A_630 = arith.constant 0 : index
        %get3A_631 = arith.constant 0 : index
        %get3A_632 = vector.load %arg5[%get3A_630, %get3A_631] : memref<256x512xf32, #tpu.memory_space<vmem>>, vector<256x512xf32>
        %add3A_633 = arith.addf %get3A_632, %div3A_629 : vector<256x512xf32>
        %swap3A_634 = arith.constant 0 : index
        %swap3A_635 = arith.constant 0 : index
        %swap3A_636 = vector.load %arg5[%swap3A_634, %swap3A_635] : memref<256x512xf32, #tpu.memory_space<vmem>>, vector<256x512xf32>
        tpu.vector_store %arg5[%swap3A_634, %swap3A_635], %add3A_633 {strides = array<i32>} : memref<256x512xf32, #tpu.memory_space<vmem>>, vector<256x512xf32>,
      }
    }
    %while3A_138 = arith.constant 1 : i32
    scf.for %while3A_598 = %while3A_136 to %while3A_132 step %while3A_138  : i32 {
      %mul3A_599 = arith.constant 256 : i32
      %mul3A_600 = arith.muli %while3A_598, %mul3A_599 : i32
      %get3A_601 = arith.index_cast %mul3A_600 : i32 to index
      %get3A_602 = arith.constant 1 : index
      %get3A_603 = vector.load %arg1[%get3A_601, %get3A_602] : memref<2048x8xf32, #tpu.memory_space<vmem>>, vector<256x1xf32>
      %while3A_604 = arith.constant 0 : i32
      %while3A_605 = arith.subi %select_n3A_128, %while3A_604 : i32
      %while3A_606 = arith.addi %while3A_604, %while3A_605 : i32
      %while3A_607 = arith.constant 1 : i32
      %while3A_608 = arith.divsi %while3A_605, %while3A_607 : i32
      %while3A_609 = arith.muli %while3A_608, %while3A_607 : i32
      %while3A_610 = arith.addi %while3A_604, %while3A_609 : i32
      %while3A_611 = arith.constant 1 : i32
      scf.for %while3A_613 = %while3A_604 to %while3A_610 step %while3A_611  : i32 {
        %add3A_614 = arith.constant 4 : i32
        %add3A_615 = arith.addi %add3A_614, %while3A_613 : i32
        %get3A_616 = arith.index_cast %add3A_615 : i32 to index
        %get3A_617 = arith.constant 0 : index
        %get3A_618 = arith.constant 0 : index
        %get3A_619 = vector.load %arg2[%get3A_616, %get3A_617, %get3A_618] : memref<32x1x512xf32, #tpu.memory_space<vmem>>, vector<1x1x512xf32>
        %reshape3A = vector.shape_cast %get3A_619 : vector<1x1x512xf32> to vector<1x512xf32>
        %mul3A_620 = vector.broadcast %reshape3A : vector<1x512xf32> to vector<256x512xf32>
        %mul3A_621 = vector.broadcast %get3A_603 : vector<256x1xf32> to vector<256x512xf32>
        %mul3A_622 = arith.mulf %mul3A_620, %mul3A_621 : vector<256x512xf32>
        %add3A_623 = arith.constant 1.000000e+00 : f32
        %add3A_624 = vector.broadcast %add3A_623 : f32 to vector<256x512xf32>
        %add3A_625 = arith.addf %add3A_624, %mul3A_622 : vector<256x512xf32>
        %log3A = math.log %add3A_625 : vector<256x512xf32>
        %log3A_626 = arith.constant 2.000000e+00 : f32
        %log3A_627 = math.log %log3A_626 : f32
        %div3A_628 = vector.broadcast %log3A_627 : f32 to vector<256x512xf32>
        %div3A_629 = arith.divf %log3A, %div3A_628 : vector<256x512xf32>
        %get3A_630 = arith.constant 0 : index
        %get3A_631 = arith.constant 0 : index
        %get3A_632 = vector.load %arg5[%get3A_630, %get3A_631] : memref<256x512xf32, #tpu.memory_space<vmem>>, vector<256x512xf32>
        %add3A_633 = arith.addf %get3A_632, %div3A_629 : vector<256x512xf32>
        %swap3A_634 = arith.constant 0 : index
        %swap3A_635 = arith.constant 0 : index
        %swap3A_636 = vector.load %arg5[%swap3A_634, %swap3A_635] : memref<256x512xf32, #tpu.memory_space<vmem>>, vector<256x512xf32>
        tpu.vector_store %arg5[%swap3A_634, %swap3A_635], %add3A_633 {strides = array<i32>} : memref<256x512xf32, #tpu.memory_space<vmem>>, vector<256x512xf32>,
      }
      %while3A_612 = arith.constant 1 : i32
      scf.for %while3A_613 = %while3A_610 to %while3A_606 step %while3A_612  : i32 {
        %add3A_614 = arith.constant 4 : i32
        %add3A_615 = arith.addi %add3A_614, %while3A_613 : i32
        %get3A_616 = arith.index_cast %add3A_615 : i32 to index
        %get3A_617 = arith.constant 0 : index
        %get3A_618 = arith.constant 0 : index
        %get3A_619 = vector.load %arg2[%get3A_616, %get3A_617, %get3A_618] : memref<32x1x512xf32, #tpu.memory_space<vmem>>, vector<1x1x512xf32>
        %reshape3A = vector.shape_cast %get3A_619 : vector<1x1x512xf32> to vector<1x512xf32>
        %mul3A_620 = vector.broadcast %reshape3A : vector<1x512xf32> to vector<256x512xf32>
        %mul3A_621 = vector.broadcast %get3A_603 : vector<256x1xf32> to vector<256x512xf32>
        %mul3A_622 = arith.mulf %mul3A_620, %mul3A_621 : vector<256x512xf32>
        %add3A_623 = arith.constant 1.000000e+00 : f32
        %add3A_624 = vector.broadcast %add3A_623 : f32 to vector<256x512xf32>
        %add3A_625 = arith.addf %add3A_624, %mul3A_622 : vector<256x512xf32>
        %log3A = math.log %add3A_625 : vector<256x512xf32>
        %log3A_626 = arith.constant 2.000000e+00 : f32
        %log3A_627 = math.log %log3A_626 : f32
        %div3A_628 = vector.broadcast %log3A_627 : f32 to vector<256x512xf32>
        %div3A_629 = arith.divf %log3A, %div3A_628 : vector<256x512xf32>
        %get3A_630 = arith.constant 0 : index
        %get3A_631 = arith.constant 0 : index
        %get3A_632 = vector.load %arg5[%get3A_630, %get3A_631] : memref<256x512xf32, #tpu.memory_space<vmem>>, vector<256x512xf32>
        %add3A_633 = arith.addf %get3A_632, %div3A_629 : vector<256x512xf32>
        %swap3A_634 = arith.constant 0 : index
        %swap3A_635 = arith.constant 0 : index
        %swap3A_636 = vector.load %arg5[%swap3A_634, %swap3A_635] : memref<256x512xf32, #tpu.memory_space<vmem>>, vector<256x512xf32>
        tpu.vector_store %arg5[%swap3A_634, %swap3A_635], %add3A_633 {strides = array<i32>} : memref<256x512xf32, #tpu.memory_space<vmem>>, vector<256x512xf32>,
      }
    }
    %get3A_139 = arith.constant 2 : index
    %get3A_140 = arith.constant 0 : index
    %get3A_141 = memref.load %arg0[%get3A_139, %get3A_140] : memref<8x16xi32, #tpu.memory_space<smem>>
    %sub3A_142 = arith.constant 2048 : i32
    %sub3A_143 = arith.subi %sub3A_142, %get3A_141 : i32
    %mul3A_144 = arith.muli %get3A_141, %sub3A_143 : i32
    %convert_element_type3A_145 = arith.sitofp %mul3A_144 : i32 to f32
    %add3A_146 = arith.addf %add3A_72, %convert_element_type3A_145 : f32
    %add3A_147 = arith.constant 256 : i32
    %add3A_148 = arith.addi %get3A_141, %add3A_147 : i32
    %sub3A_149 = arith.constant 1 : i32
    %sub3A_150 = arith.subi %add3A_148, %sub3A_149 : i32
    %jit3A_151 = arith.constant 256 : i32
    %div3A_152 = arith.divsi %sub3A_150, %jit3A_151 : i32
    %sign3A_153 = arith.constant 0 : i32
    %sign3A_154 = arith.cmpi sgt, %sub3A_150, %sign3A_153 : i32
    %sign3A_155 = arith.extui %sign3A_154 : i1 to i32
    %sign3A_156 = arith.constant 0 : i32
    %sign3A_157 = arith.cmpi slt, %sub3A_150, %sign3A_156 : i32
    %sign3A_158 = arith.extui %sign3A_157 : i1 to i32
    %sign3A_159 = arith.subi %sign3A_155, %sign3A_158 : i32
    %sign3A_160 = arith.constant 0 : i32
    %sign3A_161 = arith.cmpi sgt, %jit3A_151, %sign3A_160 : i32
    %sign3A_162 = arith.extui %sign3A_161 : i1 to i32
    %sign3A_163 = arith.constant 0 : i32
    %sign3A_164 = arith.cmpi slt, %jit3A_151, %sign3A_163 : i32
    %sign3A_165 = arith.extui %sign3A_164 : i1 to i32
    %sign3A_166 = arith.subi %sign3A_162, %sign3A_165 : i32
    %ne3A_167 = arith.cmpi ne, %sign3A_159, %sign3A_166 : i32
    %rem3A_168 = arith.remsi %sub3A_150, %jit3A_151 : i32
    %ne3A_169 = arith.constant 0 : i32
    %ne3A_170 = arith.cmpi ne, %rem3A_168, %ne3A_169 : i32
    %and3A_171 = arith.andi %ne3A_167, %ne3A_170 : i1
    %sub3A_172 = arith.constant 1 : i32
    %sub3A_173 = arith.subi %div3A_152, %sub3A_172 : i32
    %select_n3A_174 = arith.select %and3A_171, %sub3A_173, %div3A_152 : i32
    %add3A_175 = arith.constant 512 : i32
    %add3A_176 = arith.addi %sub3A_143, %add3A_175 : i32
    %sub3A_177 = arith.constant 1 : i32
    %sub3A_178 = arith.subi %add3A_176, %sub3A_177 : i32
    %jit3A_179 = arith.constant 512 : i32
    %div3A_180 = arith.divsi %sub3A_178, %jit3A_179 : i32
    %sign3A_181 = arith.constant 0 : i32
    %sign3A_182 = arith.cmpi sgt, %sub3A_178, %sign3A_181 : i32
    %sign3A_183 = arith.extui %sign3A_182 : i1 to i32
    %sign3A_184 = arith.constant 0 : i32
    %sign3A_185 = arith.cmpi slt, %sub3A_178, %sign3A_184 : i32
    %sign3A_186 = arith.extui %sign3A_185 : i1 to i32
    %sign3A_187 = arith.subi %sign3A_183, %sign3A_186 : i32
    %sign3A_188 = arith.constant 0 : i32
    %sign3A_189 = arith.cmpi sgt, %jit3A_179, %sign3A_188 : i32
    %sign3A_190 = arith.extui %sign3A_189 : i1 to i32
    %sign3A_191 = arith.constant 0 : i32
    %sign3A_192 = arith.cmpi slt, %jit3A_179, %sign3A_191 : i32
    %sign3A_193 = arith.extui %sign3A_192 : i1 to i32
    %sign3A_194 = arith.subi %sign3A_190, %sign3A_193 : i32
    %ne3A_195 = arith.cmpi ne, %sign3A_187, %sign3A_194 : i32
    %rem3A_196 = arith.remsi %sub3A_178, %jit3A_179 : i32
    %ne3A_197 = arith.constant 0 : i32
    %ne3A_198 = arith.cmpi ne, %rem3A_196, %ne3A_197 : i32
    %and3A_199 = arith.andi %ne3A_195, %ne3A_198 : i1
    %sub3A_200 = arith.constant 1 : i32
    %sub3A_201 = arith.subi %div3A_180, %sub3A_200 : i32
    %select_n3A_202 = arith.select %and3A_199, %sub3A_201, %div3A_180 : i32
    %while3A_203 = arith.constant 0 : i32
    %while3A_204 = arith.constant 0 : i32
    %while3A_205 = arith.subi %select_n3A_174, %while3A_204 : i32
    %while3A_206 = arith.addi %while3A_204, %while3A_205 : i32
    %while3A_207 = arith.constant 1 : i32
    %while3A_208 = arith.divsi %while3A_205, %while3A_207 : i32
    %while3A_209 = arith.muli %while3A_208, %while3A_207 : i32
    %while3A_210 = arith.addi %while3A_204, %while3A_209 : i32
    %while3A_211 = arith.constant 1 : i32
    scf.for %while3A_598 = %while3A_204 to %while3A_210 step %while3A_211  : i32 {
      %mul3A_599 = arith.constant 256 : i32
      %mul3A_600 = arith.muli %while3A_598, %mul3A_599 : i32
      %get3A_601 = arith.index_cast %mul3A_600 : i32 to index
      %get3A_602 = arith.constant 2 : index
      %get3A_603 = vector.load %arg1[%get3A_601, %get3A_602] : memref<2048x8xf32, #tpu.memory_space<vmem>>, vector<256x1xf32>
      %while3A_604 = arith.constant 0 : i32
      %while3A_605 = arith.subi %select_n3A_202, %while3A_604 : i32
      %while3A_606 = arith.addi %while3A_604, %while3A_605 : i32
      %while3A_607 = arith.constant 1 : i32
      %while3A_608 = arith.divsi %while3A_605, %while3A_607 : i32
      %while3A_609 = arith.muli %while3A_608, %while3A_607 : i32
      %while3A_610 = arith.addi %while3A_604, %while3A_609 : i32
      %while3A_611 = arith.constant 1 : i32
      scf.for %while3A_613 = %while3A_604 to %while3A_610 step %while3A_611  : i32 {
        %add3A_614 = arith.constant 8 : i32
        %add3A_615 = arith.addi %add3A_614, %while3A_613 : i32
        %get3A_616 = arith.index_cast %add3A_615 : i32 to index
        %get3A_617 = arith.constant 0 : index
        %get3A_618 = arith.constant 0 : index
        %get3A_619 = vector.load %arg2[%get3A_616, %get3A_617, %get3A_618] : memref<32x1x512xf32, #tpu.memory_space<vmem>>, vector<1x1x512xf32>
        %reshape3A = vector.shape_cast %get3A_619 : vector<1x1x512xf32> to vector<1x512xf32>
        %mul3A_620 = vector.broadcast %reshape3A : vector<1x512xf32> to vector<256x512xf32>
        %mul3A_621 = vector.broadcast %get3A_603 : vector<256x1xf32> to vector<256x512xf32>
        %mul3A_622 = arith.mulf %mul3A_620, %mul3A_621 : vector<256x512xf32>
        %add3A_623 = arith.constant 1.000000e+00 : f32
        %add3A_624 = vector.broadcast %add3A_623 : f32 to vector<256x512xf32>
        %add3A_625 = arith.addf %add3A_624, %mul3A_622 : vector<256x512xf32>
        %log3A = math.log %add3A_625 : vector<256x512xf32>
        %log3A_626 = arith.constant 2.000000e+00 : f32
        %log3A_627 = math.log %log3A_626 : f32
        %div3A_628 = vector.broadcast %log3A_627 : f32 to vector<256x512xf32>
        %div3A_629 = arith.divf %log3A, %div3A_628 : vector<256x512xf32>
        %get3A_630 = arith.constant 0 : index
        %get3A_631 = arith.constant 0 : index
        %get3A_632 = vector.load %arg5[%get3A_630, %get3A_631] : memref<256x512xf32, #tpu.memory_space<vmem>>, vector<256x512xf32>
        %add3A_633 = arith.addf %get3A_632, %div3A_629 : vector<256x512xf32>
        %swap3A_634 = arith.constant 0 : index
        %swap3A_635 = arith.constant 0 : index
        %swap3A_636 = vector.load %arg5[%swap3A_634, %swap3A_635] : memref<256x512xf32, #tpu.memory_space<vmem>>, vector<256x512xf32>
        tpu.vector_store %arg5[%swap3A_634, %swap3A_635], %add3A_633 {strides = array<i32>} : memref<256x512xf32, #tpu.memory_space<vmem>>, vector<256x512xf32>,
      }
      %while3A_612 = arith.constant 1 : i32
      scf.for %while3A_613 = %while3A_610 to %while3A_606 step %while3A_612  : i32 {
        %add3A_614 = arith.constant 8 : i32
        %add3A_615 = arith.addi %add3A_614, %while3A_613 : i32
        %get3A_616 = arith.index_cast %add3A_615 : i32 to index
        %get3A_617 = arith.constant 0 : index
        %get3A_618 = arith.constant 0 : index
        %get3A_619 = vector.load %arg2[%get3A_616, %get3A_617, %get3A_618] : memref<32x1x512xf32, #tpu.memory_space<vmem>>, vector<1x1x512xf32>
        %reshape3A = vector.shape_cast %get3A_619 : vector<1x1x512xf32> to vector<1x512xf32>
        %mul3A_620 = vector.broadcast %reshape3A : vector<1x512xf32> to vector<256x512xf32>
        %mul3A_621 = vector.broadcast %get3A_603 : vector<256x1xf32> to vector<256x512xf32>
        %mul3A_622 = arith.mulf %mul3A_620, %mul3A_621 : vector<256x512xf32>
        %add3A_623 = arith.constant 1.000000e+00 : f32
        %add3A_624 = vector.broadcast %add3A_623 : f32 to vector<256x512xf32>
        %add3A_625 = arith.addf %add3A_624, %mul3A_622 : vector<256x512xf32>
        %log3A = math.log %add3A_625 : vector<256x512xf32>
        %log3A_626 = arith.constant 2.000000e+00 : f32
        %log3A_627 = math.log %log3A_626 : f32
        %div3A_628 = vector.broadcast %log3A_627 : f32 to vector<256x512xf32>
        %div3A_629 = arith.divf %log3A, %div3A_628 : vector<256x512xf32>
        %get3A_630 = arith.constant 0 : index
        %get3A_631 = arith.constant 0 : index
        %get3A_632 = vector.load %arg5[%get3A_630, %get3A_631] : memref<256x512xf32, #tpu.memory_space<vmem>>, vector<256x512xf32>
        %add3A_633 = arith.addf %get3A_632, %div3A_629 : vector<256x512xf32>
        %swap3A_634 = arith.constant 0 : index
        %swap3A_635 = arith.constant 0 : index
        %swap3A_636 = vector.load %arg5[%swap3A_634, %swap3A_635] : memref<256x512xf32, #tpu.memory_space<vmem>>, vector<256x512xf32>
        tpu.vector_store %arg5[%swap3A_634, %swap3A_635], %add3A_633 {strides = array<i32>} : memref<256x512xf32, #tpu.memory_space<vmem>>, vector<256x512xf32>,
      }
    }
    %while3A_212 = arith.constant 1 : i32
    scf.for %while3A_598 = %while3A_210 to %while3A_206 step %while3A_212  : i32 {
      %mul3A_599 = arith.constant 256 : i32
      %mul3A_600 = arith.muli %while3A_598, %mul3A_599 : i32
      %get3A_601 = arith.index_cast %mul3A_600 : i32 to index
      %get3A_602 = arith.constant 2 : index
      %get3A_603 = vector.load %arg1[%get3A_601, %get3A_602] : memref<2048x8xf32, #tpu.memory_space<vmem>>, vector<256x1xf32>
      %while3A_604 = arith.constant 0 : i32
      %while3A_605 = arith.subi %select_n3A_202, %while3A_604 : i32
      %while3A_606 = arith.addi %while3A_604, %while3A_605 : i32
      %while3A_607 = arith.constant 1 : i32
      %while3A_608 = arith.divsi %while3A_605, %while3A_607 : i32
      %while3A_609 = arith.muli %while3A_608, %while3A_607 : i32
      %while3A_610 = arith.addi %while3A_604, %while3A_609 : i32
      %while3A_611 = arith.constant 1 : i32
      scf.for %while3A_613 = %while3A_604 to %while3A_610 step %while3A_611  : i32 {
        %add3A_614 = arith.constant 8 : i32
        %add3A_615 = arith.addi %add3A_614, %while3A_613 : i32
        %get3A_616 = arith.index_cast %add3A_615 : i32 to index
        %get3A_617 = arith.constant 0 : index
        %get3A_618 = arith.constant 0 : index
        %get3A_619 = vector.load %arg2[%get3A_616, %get3A_617, %get3A_618] : memref<32x1x512xf32, #tpu.memory_space<vmem>>, vector<1x1x512xf32>
        %reshape3A = vector.shape_cast %get3A_619 : vector<1x1x512xf32> to vector<1x512xf32>
        %mul3A_620 = vector.broadcast %reshape3A : vector<1x512xf32> to vector<256x512xf32>
        %mul3A_621 = vector.broadcast %get3A_603 : vector<256x1xf32> to vector<256x512xf32>
        %mul3A_622 = arith.mulf %mul3A_620, %mul3A_621 : vector<256x512xf32>
        %add3A_623 = arith.constant 1.000000e+00 : f32
        %add3A_624 = vector.broadcast %add3A_623 : f32 to vector<256x512xf32>
        %add3A_625 = arith.addf %add3A_624, %mul3A_622 : vector<256x512xf32>
        %log3A = math.log %add3A_625 : vector<256x512xf32>
        %log3A_626 = arith.constant 2.000000e+00 : f32
        %log3A_627 = math.log %log3A_626 : f32
        %div3A_628 = vector.broadcast %log3A_627 : f32 to vector<256x512xf32>
        %div3A_629 = arith.divf %log3A, %div3A_628 : vector<256x512xf32>
        %get3A_630 = arith.constant 0 : index
        %get3A_631 = arith.constant 0 : index
        %get3A_632 = vector.load %arg5[%get3A_630, %get3A_631] : memref<256x512xf32, #tpu.memory_space<vmem>>, vector<256x512xf32>
        %add3A_633 = arith.addf %get3A_632, %div3A_629 : vector<256x512xf32>
        %swap3A_634 = arith.constant 0 : index
        %swap3A_635 = arith.constant 0 : index
        %swap3A_636 = vector.load %arg5[%swap3A_634, %swap3A_635] : memref<256x512xf32, #tpu.memory_space<vmem>>, vector<256x512xf32>
        tpu.vector_store %arg5[%swap3A_634, %swap3A_635], %add3A_633 {strides = array<i32>} : memref<256x512xf32, #tpu.memory_space<vmem>>, vector<256x512xf32>,
      }
      %while3A_612 = arith.constant 1 : i32
      scf.for %while3A_613 = %while3A_610 to %while3A_606 step %while3A_612  : i32 {
        %add3A_614 = arith.constant 8 : i32
        %add3A_615 = arith.addi %add3A_614, %while3A_613 : i32
        %get3A_616 = arith.index_cast %add3A_615 : i32 to index
        %get3A_617 = arith.constant 0 : index
        %get3A_618 = arith.constant 0 : index
        %get3A_619 = vector.load %arg2[%get3A_616, %get3A_617, %get3A_618] : memref<32x1x512xf32, #tpu.memory_space<vmem>>, vector<1x1x512xf32>
        %reshape3A = vector.shape_cast %get3A_619 : vector<1x1x512xf32> to vector<1x512xf32>
        %mul3A_620 = vector.broadcast %reshape3A : vector<1x512xf32> to vector<256x512xf32>
        %mul3A_621 = vector.broadcast %get3A_603 : vector<256x1xf32> to vector<256x512xf32>
        %mul3A_622 = arith.mulf %mul3A_620, %mul3A_621 : vector<256x512xf32>
        %add3A_623 = arith.constant 1.000000e+00 : f32
        %add3A_624 = vector.broadcast %add3A_623 : f32 to vector<256x512xf32>
        %add3A_625 = arith.addf %add3A_624, %mul3A_622 : vector<256x512xf32>
        %log3A = math.log %add3A_625 : vector<256x512xf32>
        %log3A_626 = arith.constant 2.000000e+00 : f32
        %log3A_627 = math.log %log3A_626 : f32
        %div3A_628 = vector.broadcast %log3A_627 : f32 to vector<256x512xf32>
        %div3A_629 = arith.divf %log3A, %div3A_628 : vector<256x512xf32>
        %get3A_630 = arith.constant 0 : index
        %get3A_631 = arith.constant 0 : index
        %get3A_632 = vector.load %arg5[%get3A_630, %get3A_631] : memref<256x512xf32, #tpu.memory_space<vmem>>, vector<256x512xf32>
        %add3A_633 = arith.addf %get3A_632, %div3A_629 : vector<256x512xf32>
        %swap3A_634 = arith.constant 0 : index
        %swap3A_635 = arith.constant 0 : index
        %swap3A_636 = vector.load %arg5[%swap3A_634, %swap3A_635] : memref<256x512xf32, #tpu.memory_space<vmem>>, vector<256x512xf32>
        tpu.vector_store %arg5[%swap3A_634, %swap3A_635], %add3A_633 {strides = array<i32>} : memref<256x512xf32, #tpu.memory_space<vmem>>, vector<256x512xf32>,
      }
    }
    %get3A_213 = arith.constant 3 : index
    %get3A_214 = arith.constant 0 : index
    %get3A_215 = memref.load %arg0[%get3A_213, %get3A_214] : memref<8x16xi32, #tpu.memory_space<smem>>
    %sub3A_216 = arith.constant 2048 : i32
    %sub3A_217 = arith.subi %sub3A_216, %get3A_215 : i32
    %mul3A_218 = arith.muli %get3A_215, %sub3A_217 : i32
    %convert_element_type3A_219 = arith.sitofp %mul3A_218 : i32 to f32
    %add3A_220 = arith.addf %add3A_146, %convert_element_type3A_219 : f32
    %add3A_221 = arith.constant 256 : i32
    %add3A_222 = arith.addi %get3A_215, %add3A_221 : i32
    %sub3A_223 = arith.constant 1 : i32
    %sub3A_224 = arith.subi %add3A_222, %sub3A_223 : i32
    %jit3A_225 = arith.constant 256 : i32
    %div3A_226 = arith.divsi %sub3A_224, %jit3A_225 : i32
    %sign3A_227 = arith.constant 0 : i32
    %sign3A_228 = arith.cmpi sgt, %sub3A_224, %sign3A_227 : i32
    %sign3A_229 = arith.extui %sign3A_228 : i1 to i32
    %sign3A_230 = arith.constant 0 : i32
    %sign3A_231 = arith.cmpi slt, %sub3A_224, %sign3A_230 : i32
    %sign3A_232 = arith.extui %sign3A_231 : i1 to i32
    %sign3A_233 = arith.subi %sign3A_229, %sign3A_232 : i32
    %sign3A_234 = arith.constant 0 : i32
    %sign3A_235 = arith.cmpi sgt, %jit3A_225, %sign3A_234 : i32
    %sign3A_236 = arith.extui %sign3A_235 : i1 to i32
    %sign3A_237 = arith.constant 0 : i32
    %sign3A_238 = arith.cmpi slt, %jit3A_225, %sign3A_237 : i32
    %sign3A_239 = arith.extui %sign3A_238 : i1 to i32
    %sign3A_240 = arith.subi %sign3A_236, %sign3A_239 : i32
    %ne3A_241 = arith.cmpi ne, %sign3A_233, %sign3A_240 : i32
    %rem3A_242 = arith.remsi %sub3A_224, %jit3A_225 : i32
    %ne3A_243 = arith.constant 0 : i32
    %ne3A_244 = arith.cmpi ne, %rem3A_242, %ne3A_243 : i32
    %and3A_245 = arith.andi %ne3A_241, %ne3A_244 : i1
    %sub3A_246 = arith.constant 1 : i32
    %sub3A_247 = arith.subi %div3A_226, %sub3A_246 : i32
    %select_n3A_248 = arith.select %and3A_245, %sub3A_247, %div3A_226 : i32
    %add3A_249 = arith.constant 512 : i32
    %add3A_250 = arith.addi %sub3A_217, %add3A_249 : i32
    %sub3A_251 = arith.constant 1 : i32
    %sub3A_252 = arith.subi %add3A_250, %sub3A_251 : i32
    %jit3A_253 = arith.constant 512 : i32
    %div3A_254 = arith.divsi %sub3A_252, %jit3A_253 : i32
    %sign3A_255 = arith.constant 0 : i32
    %sign3A_256 = arith.cmpi sgt, %sub3A_252, %sign3A_255 : i32
    %sign3A_257 = arith.extui %sign3A_256 : i1 to i32
    %sign3A_258 = arith.constant 0 : i32
    %sign3A_259 = arith.cmpi slt, %sub3A_252, %sign3A_258 : i32
    %sign3A_260 = arith.extui %sign3A_259 : i1 to i32
    %sign3A_261 = arith.subi %sign3A_257, %sign3A_260 : i32
    %sign3A_262 = arith.constant 0 : i32
    %sign3A_263 = arith.cmpi sgt, %jit3A_253, %sign3A_262 : i32
    %sign3A_264 = arith.extui %sign3A_263 : i1 to i32
    %sign3A_265 = arith.constant 0 : i32
    %sign3A_266 = arith.cmpi slt, %jit3A_253, %sign3A_265 : i32
    %sign3A_267 = arith.extui %sign3A_266 : i1 to i32
    %sign3A_268 = arith.subi %sign3A_264, %sign3A_267 : i32
    %ne3A_269 = arith.cmpi ne, %sign3A_261, %sign3A_268 : i32
    %rem3A_270 = arith.remsi %sub3A_252, %jit3A_253 : i32
    %ne3A_271 = arith.constant 0 : i32
    %ne3A_272 = arith.cmpi ne, %rem3A_270, %ne3A_271 : i32
    %and3A_273 = arith.andi %ne3A_269, %ne3A_272 : i1
    %sub3A_274 = arith.constant 1 : i32
    %sub3A_275 = arith.subi %div3A_254, %sub3A_274 : i32
    %select_n3A_276 = arith.select %and3A_273, %sub3A_275, %div3A_254 : i32
    %while3A_277 = arith.constant 0 : i32
    %while3A_278 = arith.constant 0 : i32
    %while3A_279 = arith.subi %select_n3A_248, %while3A_278 : i32
    %while3A_280 = arith.addi %while3A_278, %while3A_279 : i32
    %while3A_281 = arith.constant 1 : i32
    %while3A_282 = arith.divsi %while3A_279, %while3A_281 : i32
    %while3A_283 = arith.muli %while3A_282, %while3A_281 : i32
    %while3A_284 = arith.addi %while3A_278, %while3A_283 : i32
    %while3A_285 = arith.constant 1 : i32
    scf.for %while3A_598 = %while3A_278 to %while3A_284 step %while3A_285  : i32 {
      %mul3A_599 = arith.constant 256 : i32
      %mul3A_600 = arith.muli %while3A_598, %mul3A_599 : i32
      %get3A_601 = arith.index_cast %mul3A_600 : i32 to index
      %get3A_602 = arith.constant 3 : index
      %get3A_603 = vector.load %arg1[%get3A_601, %get3A_602] : memref<2048x8xf32, #tpu.memory_space<vmem>>, vector<256x1xf32>
      %while3A_604 = arith.constant 0 : i32
      %while3A_605 = arith.subi %select_n3A_276, %while3A_604 : i32
      %while3A_606 = arith.addi %while3A_604, %while3A_605 : i32
      %while3A_607 = arith.constant 1 : i32
      %while3A_608 = arith.divsi %while3A_605, %while3A_607 : i32
      %while3A_609 = arith.muli %while3A_608, %while3A_607 : i32
      %while3A_610 = arith.addi %while3A_604, %while3A_609 : i32
      %while3A_611 = arith.constant 1 : i32
      scf.for %while3A_613 = %while3A_604 to %while3A_610 step %while3A_611  : i32 {
        %add3A_614 = arith.constant 12 : i32
        %add3A_615 = arith.addi %add3A_614, %while3A_613 : i32
        %get3A_616 = arith.index_cast %add3A_615 : i32 to index
        %get3A_617 = arith.constant 0 : index
        %get3A_618 = arith.constant 0 : index
        %get3A_619 = vector.load %arg2[%get3A_616, %get3A_617, %get3A_618] : memref<32x1x512xf32, #tpu.memory_space<vmem>>, vector<1x1x512xf32>
        %reshape3A = vector.shape_cast %get3A_619 : vector<1x1x512xf32> to vector<1x512xf32>
        %mul3A_620 = vector.broadcast %reshape3A : vector<1x512xf32> to vector<256x512xf32>
        %mul3A_621 = vector.broadcast %get3A_603 : vector<256x1xf32> to vector<256x512xf32>
        %mul3A_622 = arith.mulf %mul3A_620, %mul3A_621 : vector<256x512xf32>
        %add3A_623 = arith.constant 1.000000e+00 : f32
        %add3A_624 = vector.broadcast %add3A_623 : f32 to vector<256x512xf32>
        %add3A_625 = arith.addf %add3A_624, %mul3A_622 : vector<256x512xf32>
        %log3A = math.log %add3A_625 : vector<256x512xf32>
        %log3A_626 = arith.constant 2.000000e+00 : f32
        %log3A_627 = math.log %log3A_626 : f32
        %div3A_628 = vector.broadcast %log3A_627 : f32 to vector<256x512xf32>
        %div3A_629 = arith.divf %log3A, %div3A_628 : vector<256x512xf32>
        %get3A_630 = arith.constant 0 : index
        %get3A_631 = arith.constant 0 : index
        %get3A_632 = vector.load %arg5[%get3A_630, %get3A_631] : memref<256x512xf32, #tpu.memory_space<vmem>>, vector<256x512xf32>
        %add3A_633 = arith.addf %get3A_632, %div3A_629 : vector<256x512xf32>
        %swap3A_634 = arith.constant 0 : index
        %swap3A_635 = arith.constant 0 : index
        %swap3A_636 = vector.load %arg5[%swap3A_634, %swap3A_635] : memref<256x512xf32, #tpu.memory_space<vmem>>, vector<256x512xf32>
        tpu.vector_store %arg5[%swap3A_634, %swap3A_635], %add3A_633 {strides = array<i32>} : memref<256x512xf32, #tpu.memory_space<vmem>>, vector<256x512xf32>,
      }
      %while3A_612 = arith.constant 1 : i32
      scf.for %while3A_613 = %while3A_610 to %while3A_606 step %while3A_612  : i32 {
        %add3A_614 = arith.constant 12 : i32
        %add3A_615 = arith.addi %add3A_614, %while3A_613 : i32
        %get3A_616 = arith.index_cast %add3A_615 : i32 to index
        %get3A_617 = arith.constant 0 : index
        %get3A_618 = arith.constant 0 : index
        %get3A_619 = vector.load %arg2[%get3A_616, %get3A_617, %get3A_618] : memref<32x1x512xf32, #tpu.memory_space<vmem>>, vector<1x1x512xf32>
        %reshape3A = vector.shape_cast %get3A_619 : vector<1x1x512xf32> to vector<1x512xf32>
        %mul3A_620 = vector.broadcast %reshape3A : vector<1x512xf32> to vector<256x512xf32>
        %mul3A_621 = vector.broadcast %get3A_603 : vector<256x1xf32> to vector<256x512xf32>
        %mul3A_622 = arith.mulf %mul3A_620, %mul3A_621 : vector<256x512xf32>
        %add3A_623 = arith.constant 1.000000e+00 : f32
        %add3A_624 = vector.broadcast %add3A_623 : f32 to vector<256x512xf32>
        %add3A_625 = arith.addf %add3A_624, %mul3A_622 : vector<256x512xf32>
        %log3A = math.log %add3A_625 : vector<256x512xf32>
        %log3A_626 = arith.constant 2.000000e+00 : f32
        %log3A_627 = math.log %log3A_626 : f32
        %div3A_628 = vector.broadcast %log3A_627 : f32 to vector<256x512xf32>
        %div3A_629 = arith.divf %log3A, %div3A_628 : vector<256x512xf32>
        %get3A_630 = arith.constant 0 : index
        %get3A_631 = arith.constant 0 : index
        %get3A_632 = vector.load %arg5[%get3A_630, %get3A_631] : memref<256x512xf32, #tpu.memory_space<vmem>>, vector<256x512xf32>
        %add3A_633 = arith.addf %get3A_632, %div3A_629 : vector<256x512xf32>
        %swap3A_634 = arith.constant 0 : index
        %swap3A_635 = arith.constant 0 : index
        %swap3A_636 = vector.load %arg5[%swap3A_634, %swap3A_635] : memref<256x512xf32, #tpu.memory_space<vmem>>, vector<256x512xf32>
        tpu.vector_store %arg5[%swap3A_634, %swap3A_635], %add3A_633 {strides = array<i32>} : memref<256x512xf32, #tpu.memory_space<vmem>>, vector<256x512xf32>,
      }
    }
    %while3A_286 = arith.constant 1 : i32
    scf.for %while3A_598 = %while3A_284 to %while3A_280 step %while3A_286  : i32 {
      %mul3A_599 = arith.constant 256 : i32
      %mul3A_600 = arith.muli %while3A_598, %mul3A_599 : i32
      %get3A_601 = arith.index_cast %mul3A_600 : i32 to index
      %get3A_602 = arith.constant 3 : index
      %get3A_603 = vector.load %arg1[%get3A_601, %get3A_602] : memref<2048x8xf32, #tpu.memory_space<vmem>>, vector<256x1xf32>
      %while3A_604 = arith.constant 0 : i32
      %while3A_605 = arith.subi %select_n3A_276, %while3A_604 : i32
      %while3A_606 = arith.addi %while3A_604, %while3A_605 : i32
      %while3A_607 = arith.constant 1 : i32
      %while3A_608 = arith.divsi %while3A_605, %while3A_607 : i32
      %while3A_609 = arith.muli %while3A_608, %while3A_607 : i32
      %while3A_610 = arith.addi %while3A_604, %while3A_609 : i32
      %while3A_611 = arith.constant 1 : i32
      scf.for %while3A_613 = %while3A_604 to %while3A_610 step %while3A_611  : i32 {
        %add3A_614 = arith.constant 12 : i32
        %add3A_615 = arith.addi %add3A_614, %while3A_613 : i32
        %get3A_616 = arith.index_cast %add3A_615 : i32 to index
        %get3A_617 = arith.constant 0 : index
        %get3A_618 = arith.constant 0 : index
        %get3A_619 = vector.load %arg2[%get3A_616, %get3A_617, %get3A_618] : memref<32x1x512xf32, #tpu.memory_space<vmem>>, vector<1x1x512xf32>
        %reshape3A = vector.shape_cast %get3A_619 : vector<1x1x512xf32> to vector<1x512xf32>
        %mul3A_620 = vector.broadcast %reshape3A : vector<1x512xf32> to vector<256x512xf32>
        %mul3A_621 = vector.broadcast %get3A_603 : vector<256x1xf32> to vector<256x512xf32>
        %mul3A_622 = arith.mulf %mul3A_620, %mul3A_621 : vector<256x512xf32>
        %add3A_623 = arith.constant 1.000000e+00 : f32
        %add3A_624 = vector.broadcast %add3A_623 : f32 to vector<256x512xf32>
        %add3A_625 = arith.addf %add3A_624, %mul3A_622 : vector<256x512xf32>
        %log3A = math.log %add3A_625 : vector<256x512xf32>
        %log3A_626 = arith.constant 2.000000e+00 : f32
        %log3A_627 = math.log %log3A_626 : f32
        %div3A_628 = vector.broadcast %log3A_627 : f32 to vector<256x512xf32>
        %div3A_629 = arith.divf %log3A, %div3A_628 : vector<256x512xf32>
        %get3A_630 = arith.constant 0 : index
        %get3A_631 = arith.constant 0 : index
        %get3A_632 = vector.load %arg5[%get3A_630, %get3A_631] : memref<256x512xf32, #tpu.memory_space<vmem>>, vector<256x512xf32>
        %add3A_633 = arith.addf %get3A_632, %div3A_629 : vector<256x512xf32>
        %swap3A_634 = arith.constant 0 : index
        %swap3A_635 = arith.constant 0 : index
        %swap3A_636 = vector.load %arg5[%swap3A_634, %swap3A_635] : memref<256x512xf32, #tpu.memory_space<vmem>>, vector<256x512xf32>
        tpu.vector_store %arg5[%swap3A_634, %swap3A_635], %add3A_633 {strides = array<i32>} : memref<256x512xf32, #tpu.memory_space<vmem>>, vector<256x512xf32>,
      }
      %while3A_612 = arith.constant 1 : i32
      scf.for %while3A_613 = %while3A_610 to %while3A_606 step %while3A_612  : i32 {
        %add3A_614 = arith.constant 12 : i32
        %add3A_615 = arith.addi %add3A_614, %while3A_613 : i32
        %get3A_616 = arith.index_cast %add3A_615 : i32 to index
        %get3A_617 = arith.constant 0 : index
        %get3A_618 = arith.constant 0 : index
        %get3A_619 = vector.load %arg2[%get3A_616, %get3A_617, %get3A_618] : memref<32x1x512xf32, #tpu.memory_space<vmem>>, vector<1x1x512xf32>
        %reshape3A = vector.shape_cast %get3A_619 : vector<1x1x512xf32> to vector<1x512xf32>
        %mul3A_620 = vector.broadcast %reshape3A : vector<1x512xf32> to vector<256x512xf32>
        %mul3A_621 = vector.broadcast %get3A_603 : vector<256x1xf32> to vector<256x512xf32>
        %mul3A_622 = arith.mulf %mul3A_620, %mul3A_621 : vector<256x512xf32>
        %add3A_623 = arith.constant 1.000000e+00 : f32
        %add3A_624 = vector.broadcast %add3A_623 : f32 to vector<256x512xf32>
        %add3A_625 = arith.addf %add3A_624, %mul3A_622 : vector<256x512xf32>
        %log3A = math.log %add3A_625 : vector<256x512xf32>
        %log3A_626 = arith.constant 2.000000e+00 : f32
        %log3A_627 = math.log %log3A_626 : f32
        %div3A_628 = vector.broadcast %log3A_627 : f32 to vector<256x512xf32>
        %div3A_629 = arith.divf %log3A, %div3A_628 : vector<256x512xf32>
        %get3A_630 = arith.constant 0 : index
        %get3A_631 = arith.constant 0 : index
        %get3A_632 = vector.load %arg5[%get3A_630, %get3A_631] : memref<256x512xf32, #tpu.memory_space<vmem>>, vector<256x512xf32>
        %add3A_633 = arith.addf %get3A_632, %div3A_629 : vector<256x512xf32>
        %swap3A_634 = arith.constant 0 : index
        %swap3A_635 = arith.constant 0 : index
        %swap3A_636 = vector.load %arg5[%swap3A_634, %swap3A_635] : memref<256x512xf32, #tpu.memory_space<vmem>>, vector<256x512xf32>
        tpu.vector_store %arg5[%swap3A_634, %swap3A_635], %add3A_633 {strides = array<i32>} : memref<256x512xf32, #tpu.memory_space<vmem>>, vector<256x512xf32>,
      }
    }
    %get3A_287 = arith.constant 4 : index
    %get3A_288 = arith.constant 0 : index
    %get3A_289 = memref.load %arg0[%get3A_287, %get3A_288] : memref<8x16xi32, #tpu.memory_space<smem>>
    %sub3A_290 = arith.constant 2048 : i32
    %sub3A_291 = arith.subi %sub3A_290, %get3A_289 : i32
    %mul3A_292 = arith.muli %get3A_289, %sub3A_291 : i32
    %convert_element_type3A_293 = arith.sitofp %mul3A_292 : i32 to f32
    %add3A_294 = arith.addf %add3A_220, %convert_element_type3A_293 : f32
    %add3A_295 = arith.constant 256 : i32
    %add3A_296 = arith.addi %get3A_289, %add3A_295 : i32
    %sub3A_297 = arith.constant 1 : i32
    %sub3A_298 = arith.subi %add3A_296, %sub3A_297 : i32
    %jit3A_299 = arith.constant 256 : i32
    %div3A_300 = arith.divsi %sub3A_298, %jit3A_299 : i32
    %sign3A_301 = arith.constant 0 : i32
    %sign3A_302 = arith.cmpi sgt, %sub3A_298, %sign3A_301 : i32
    %sign3A_303 = arith.extui %sign3A_302 : i1 to i32
    %sign3A_304 = arith.constant 0 : i32
    %sign3A_305 = arith.cmpi slt, %sub3A_298, %sign3A_304 : i32
    %sign3A_306 = arith.extui %sign3A_305 : i1 to i32
    %sign3A_307 = arith.subi %sign3A_303, %sign3A_306 : i32
    %sign3A_308 = arith.constant 0 : i32
    %sign3A_309 = arith.cmpi sgt, %jit3A_299, %sign3A_308 : i32
    %sign3A_310 = arith.extui %sign3A_309 : i1 to i32
    %sign3A_311 = arith.constant 0 : i32
    %sign3A_312 = arith.cmpi slt, %jit3A_299, %sign3A_311 : i32
    %sign3A_313 = arith.extui %sign3A_312 : i1 to i32
    %sign3A_314 = arith.subi %sign3A_310, %sign3A_313 : i32
    %ne3A_315 = arith.cmpi ne, %sign3A_307, %sign3A_314 : i32
    %rem3A_316 = arith.remsi %sub3A_298, %jit3A_299 : i32
    %ne3A_317 = arith.constant 0 : i32
    %ne3A_318 = arith.cmpi ne, %rem3A_316, %ne3A_317 : i32
    %and3A_319 = arith.andi %ne3A_315, %ne3A_318 : i1
    %sub3A_320 = arith.constant 1 : i32
    %sub3A_321 = arith.subi %div3A_300, %sub3A_320 : i32
    %select_n3A_322 = arith.select %and3A_319, %sub3A_321, %div3A_300 : i32
    %add3A_323 = arith.constant 512 : i32
    %add3A_324 = arith.addi %sub3A_291, %add3A_323 : i32
    %sub3A_325 = arith.constant 1 : i32
    %sub3A_326 = arith.subi %add3A_324, %sub3A_325 : i32
    %jit3A_327 = arith.constant 512 : i32
    %div3A_328 = arith.divsi %sub3A_326, %jit3A_327 : i32
    %sign3A_329 = arith.constant 0 : i32
    %sign3A_330 = arith.cmpi sgt, %sub3A_326, %sign3A_329 : i32
    %sign3A_331 = arith.extui %sign3A_330 : i1 to i32
    %sign3A_332 = arith.constant 0 : i32
    %sign3A_333 = arith.cmpi slt, %sub3A_326, %sign3A_332 : i32
    %sign3A_334 = arith.extui %sign3A_333 : i1 to i32
    %sign3A_335 = arith.subi %sign3A_331, %sign3A_334 : i32
    %sign3A_336 = arith.constant 0 : i32
    %sign3A_337 = arith.cmpi sgt, %jit3A_327, %sign3A_336 : i32
    %sign3A_338 = arith.extui %sign3A_337 : i1 to i32
    %sign3A_339 = arith.constant 0 : i32
    %sign3A_340 = arith.cmpi slt, %jit3A_327, %sign3A_339 : i32
    %sign3A_341 = arith.extui %sign3A_340 : i1 to i32
    %sign3A_342 = arith.subi %sign3A_338, %sign3A_341 : i32
    %ne3A_343 = arith.cmpi ne, %sign3A_335, %sign3A_342 : i32
    %rem3A_344 = arith.remsi %sub3A_326, %jit3A_327 : i32
    %ne3A_345 = arith.constant 0 : i32
    %ne3A_346 = arith.cmpi ne, %rem3A_344, %ne3A_345 : i32
    %and3A_347 = arith.andi %ne3A_343, %ne3A_346 : i1
    %sub3A_348 = arith.constant 1 : i32
    %sub3A_349 = arith.subi %div3A_328, %sub3A_348 : i32
    %select_n3A_350 = arith.select %and3A_347, %sub3A_349, %div3A_328 : i32
    %while3A_351 = arith.constant 0 : i32
    %while3A_352 = arith.constant 0 : i32
    %while3A_353 = arith.subi %select_n3A_322, %while3A_352 : i32
    %while3A_354 = arith.addi %while3A_352, %while3A_353 : i32
    %while3A_355 = arith.constant 1 : i32
    %while3A_356 = arith.divsi %while3A_353, %while3A_355 : i32
    %while3A_357 = arith.muli %while3A_356, %while3A_355 : i32
    %while3A_358 = arith.addi %while3A_352, %while3A_357 : i32
    %while3A_359 = arith.constant 1 : i32
    scf.for %while3A_598 = %while3A_352 to %while3A_358 step %while3A_359  : i32 {
      %mul3A_599 = arith.constant 256 : i32
      %mul3A_600 = arith.muli %while3A_598, %mul3A_599 : i32
      %get3A_601 = arith.index_cast %mul3A_600 : i32 to index
      %get3A_602 = arith.constant 4 : index
      %get3A_603 = vector.load %arg1[%get3A_601, %get3A_602] : memref<2048x8xf32, #tpu.memory_space<vmem>>, vector<256x1xf32>
      %while3A_604 = arith.constant 0 : i32
      %while3A_605 = arith.subi %select_n3A_350, %while3A_604 : i32
      %while3A_606 = arith.addi %while3A_604, %while3A_605 : i32
      %while3A_607 = arith.constant 1 : i32
      %while3A_608 = arith.divsi %while3A_605, %while3A_607 : i32
      %while3A_609 = arith.muli %while3A_608, %while3A_607 : i32
      %while3A_610 = arith.addi %while3A_604, %while3A_609 : i32
      %while3A_611 = arith.constant 1 : i32
      scf.for %while3A_613 = %while3A_604 to %while3A_610 step %while3A_611  : i32 {
        %add3A_614 = arith.constant 16 : i32
        %add3A_615 = arith.addi %add3A_614, %while3A_613 : i32
        %get3A_616 = arith.index_cast %add3A_615 : i32 to index
        %get3A_617 = arith.constant 0 : index
        %get3A_618 = arith.constant 0 : index
        %get3A_619 = vector.load %arg2[%get3A_616, %get3A_617, %get3A_618] : memref<32x1x512xf32, #tpu.memory_space<vmem>>, vector<1x1x512xf32>
        %reshape3A = vector.shape_cast %get3A_619 : vector<1x1x512xf32> to vector<1x512xf32>
        %mul3A_620 = vector.broadcast %reshape3A : vector<1x512xf32> to vector<256x512xf32>
        %mul3A_621 = vector.broadcast %get3A_603 : vector<256x1xf32> to vector<256x512xf32>
        %mul3A_622 = arith.mulf %mul3A_620, %mul3A_621 : vector<256x512xf32>
        %add3A_623 = arith.constant 1.000000e+00 : f32
        %add3A_624 = vector.broadcast %add3A_623 : f32 to vector<256x512xf32>
        %add3A_625 = arith.addf %add3A_624, %mul3A_622 : vector<256x512xf32>
        %log3A = math.log %add3A_625 : vector<256x512xf32>
        %log3A_626 = arith.constant 2.000000e+00 : f32
        %log3A_627 = math.log %log3A_626 : f32
        %div3A_628 = vector.broadcast %log3A_627 : f32 to vector<256x512xf32>
        %div3A_629 = arith.divf %log3A, %div3A_628 : vector<256x512xf32>
        %get3A_630 = arith.constant 0 : index
        %get3A_631 = arith.constant 0 : index
        %get3A_632 = vector.load %arg5[%get3A_630, %get3A_631] : memref<256x512xf32, #tpu.memory_space<vmem>>, vector<256x512xf32>
        %add3A_633 = arith.addf %get3A_632, %div3A_629 : vector<256x512xf32>
        %swap3A_634 = arith.constant 0 : index
        %swap3A_635 = arith.constant 0 : index
        %swap3A_636 = vector.load %arg5[%swap3A_634, %swap3A_635] : memref<256x512xf32, #tpu.memory_space<vmem>>, vector<256x512xf32>
        tpu.vector_store %arg5[%swap3A_634, %swap3A_635], %add3A_633 {strides = array<i32>} : memref<256x512xf32, #tpu.memory_space<vmem>>, vector<256x512xf32>,
      }
      %while3A_612 = arith.constant 1 : i32
      scf.for %while3A_613 = %while3A_610 to %while3A_606 step %while3A_612  : i32 {
        %add3A_614 = arith.constant 16 : i32
        %add3A_615 = arith.addi %add3A_614, %while3A_613 : i32
        %get3A_616 = arith.index_cast %add3A_615 : i32 to index
        %get3A_617 = arith.constant 0 : index
        %get3A_618 = arith.constant 0 : index
        %get3A_619 = vector.load %arg2[%get3A_616, %get3A_617, %get3A_618] : memref<32x1x512xf32, #tpu.memory_space<vmem>>, vector<1x1x512xf32>
        %reshape3A = vector.shape_cast %get3A_619 : vector<1x1x512xf32> to vector<1x512xf32>
        %mul3A_620 = vector.broadcast %reshape3A : vector<1x512xf32> to vector<256x512xf32>
        %mul3A_621 = vector.broadcast %get3A_603 : vector<256x1xf32> to vector<256x512xf32>
        %mul3A_622 = arith.mulf %mul3A_620, %mul3A_621 : vector<256x512xf32>
        %add3A_623 = arith.constant 1.000000e+00 : f32
        %add3A_624 = vector.broadcast %add3A_623 : f32 to vector<256x512xf32>
        %add3A_625 = arith.addf %add3A_624, %mul3A_622 : vector<256x512xf32>
        %log3A = math.log %add3A_625 : vector<256x512xf32>
        %log3A_626 = arith.constant 2.000000e+00 : f32
        %log3A_627 = math.log %log3A_626 : f32
        %div3A_628 = vector.broadcast %log3A_627 : f32 to vector<256x512xf32>
        %div3A_629 = arith.divf %log3A, %div3A_628 : vector<256x512xf32>
        %get3A_630 = arith.constant 0 : index
        %get3A_631 = arith.constant 0 : index
        %get3A_632 = vector.load %arg5[%get3A_630, %get3A_631] : memref<256x512xf32, #tpu.memory_space<vmem>>, vector<256x512xf32>
        %add3A_633 = arith.addf %get3A_632, %div3A_629 : vector<256x512xf32>
        %swap3A_634 = arith.constant 0 : index
        %swap3A_635 = arith.constant 0 : index
        %swap3A_636 = vector.load %arg5[%swap3A_634, %swap3A_635] : memref<256x512xf32, #tpu.memory_space<vmem>>, vector<256x512xf32>
        tpu.vector_store %arg5[%swap3A_634, %swap3A_635], %add3A_633 {strides = array<i32>} : memref<256x512xf32, #tpu.memory_space<vmem>>, vector<256x512xf32>,
      }
    }
    %while3A_360 = arith.constant 1 : i32
    scf.for %while3A_598 = %while3A_358 to %while3A_354 step %while3A_360  : i32 {
      %mul3A_599 = arith.constant 256 : i32
      %mul3A_600 = arith.muli %while3A_598, %mul3A_599 : i32
      %get3A_601 = arith.index_cast %mul3A_600 : i32 to index
      %get3A_602 = arith.constant 4 : index
      %get3A_603 = vector.load %arg1[%get3A_601, %get3A_602] : memref<2048x8xf32, #tpu.memory_space<vmem>>, vector<256x1xf32>
      %while3A_604 = arith.constant 0 : i32
      %while3A_605 = arith.subi %select_n3A_350, %while3A_604 : i32
      %while3A_606 = arith.addi %while3A_604, %while3A_605 : i32
      %while3A_607 = arith.constant 1 : i32
      %while3A_608 = arith.divsi %while3A_605, %while3A_607 : i32
      %while3A_609 = arith.muli %while3A_608, %while3A_607 : i32
      %while3A_610 = arith.addi %while3A_604, %while3A_609 : i32
      %while3A_611 = arith.constant 1 : i32
      scf.for %while3A_613 = %while3A_604 to %while3A_610 step %while3A_611  : i32 {
        %add3A_614 = arith.constant 16 : i32
        %add3A_615 = arith.addi %add3A_614, %while3A_613 : i32
        %get3A_616 = arith.index_cast %add3A_615 : i32 to index
        %get3A_617 = arith.constant 0 : index
        %get3A_618 = arith.constant 0 : index
        %get3A_619 = vector.load %arg2[%get3A_616, %get3A_617, %get3A_618] : memref<32x1x512xf32, #tpu.memory_space<vmem>>, vector<1x1x512xf32>
        %reshape3A = vector.shape_cast %get3A_619 : vector<1x1x512xf32> to vector<1x512xf32>
        %mul3A_620 = vector.broadcast %reshape3A : vector<1x512xf32> to vector<256x512xf32>
        %mul3A_621 = vector.broadcast %get3A_603 : vector<256x1xf32> to vector<256x512xf32>
        %mul3A_622 = arith.mulf %mul3A_620, %mul3A_621 : vector<256x512xf32>
        %add3A_623 = arith.constant 1.000000e+00 : f32
        %add3A_624 = vector.broadcast %add3A_623 : f32 to vector<256x512xf32>
        %add3A_625 = arith.addf %add3A_624, %mul3A_622 : vector<256x512xf32>
        %log3A = math.log %add3A_625 : vector<256x512xf32>
        %log3A_626 = arith.constant 2.000000e+00 : f32
        %log3A_627 = math.log %log3A_626 : f32
        %div3A_628 = vector.broadcast %log3A_627 : f32 to vector<256x512xf32>
        %div3A_629 = arith.divf %log3A, %div3A_628 : vector<256x512xf32>
        %get3A_630 = arith.constant 0 : index
        %get3A_631 = arith.constant 0 : index
        %get3A_632 = vector.load %arg5[%get3A_630, %get3A_631] : memref<256x512xf32, #tpu.memory_space<vmem>>, vector<256x512xf32>
        %add3A_633 = arith.addf %get3A_632, %div3A_629 : vector<256x512xf32>
        %swap3A_634 = arith.constant 0 : index
        %swap3A_635 = arith.constant 0 : index
        %swap3A_636 = vector.load %arg5[%swap3A_634, %swap3A_635] : memref<256x512xf32, #tpu.memory_space<vmem>>, vector<256x512xf32>
        tpu.vector_store %arg5[%swap3A_634, %swap3A_635], %add3A_633 {strides = array<i32>} : memref<256x512xf32, #tpu.memory_space<vmem>>, vector<256x512xf32>,
      }
      %while3A_612 = arith.constant 1 : i32
      scf.for %while3A_613 = %while3A_610 to %while3A_606 step %while3A_612  : i32 {
        %add3A_614 = arith.constant 16 : i32
        %add3A_615 = arith.addi %add3A_614, %while3A_613 : i32
        %get3A_616 = arith.index_cast %add3A_615 : i32 to index
        %get3A_617 = arith.constant 0 : index
        %get3A_618 = arith.constant 0 : index
        %get3A_619 = vector.load %arg2[%get3A_616, %get3A_617, %get3A_618] : memref<32x1x512xf32, #tpu.memory_space<vmem>>, vector<1x1x512xf32>
        %reshape3A = vector.shape_cast %get3A_619 : vector<1x1x512xf32> to vector<1x512xf32>
        %mul3A_620 = vector.broadcast %reshape3A : vector<1x512xf32> to vector<256x512xf32>
        %mul3A_621 = vector.broadcast %get3A_603 : vector<256x1xf32> to vector<256x512xf32>
        %mul3A_622 = arith.mulf %mul3A_620, %mul3A_621 : vector<256x512xf32>
        %add3A_623 = arith.constant 1.000000e+00 : f32
        %add3A_624 = vector.broadcast %add3A_623 : f32 to vector<256x512xf32>
        %add3A_625 = arith.addf %add3A_624, %mul3A_622 : vector<256x512xf32>
        %log3A = math.log %add3A_625 : vector<256x512xf32>
        %log3A_626 = arith.constant 2.000000e+00 : f32
        %log3A_627 = math.log %log3A_626 : f32
        %div3A_628 = vector.broadcast %log3A_627 : f32 to vector<256x512xf32>
        %div3A_629 = arith.divf %log3A, %div3A_628 : vector<256x512xf32>
        %get3A_630 = arith.constant 0 : index
        %get3A_631 = arith.constant 0 : index
        %get3A_632 = vector.load %arg5[%get3A_630, %get3A_631] : memref<256x512xf32, #tpu.memory_space<vmem>>, vector<256x512xf32>
        %add3A_633 = arith.addf %get3A_632, %div3A_629 : vector<256x512xf32>
        %swap3A_634 = arith.constant 0 : index
        %swap3A_635 = arith.constant 0 : index
        %swap3A_636 = vector.load %arg5[%swap3A_634, %swap3A_635] : memref<256x512xf32, #tpu.memory_space<vmem>>, vector<256x512xf32>
        tpu.vector_store %arg5[%swap3A_634, %swap3A_635], %add3A_633 {strides = array<i32>} : memref<256x512xf32, #tpu.memory_space<vmem>>, vector<256x512xf32>,
      }
    }
    %get3A_361 = arith.constant 5 : index
    %get3A_362 = arith.constant 0 : index
    %get3A_363 = memref.load %arg0[%get3A_361, %get3A_362] : memref<8x16xi32, #tpu.memory_space<smem>>
    %sub3A_364 = arith.constant 2048 : i32
    %sub3A_365 = arith.subi %sub3A_364, %get3A_363 : i32
    %mul3A_366 = arith.muli %get3A_363, %sub3A_365 : i32
    %convert_element_type3A_367 = arith.sitofp %mul3A_366 : i32 to f32
    %add3A_368 = arith.addf %add3A_294, %convert_element_type3A_367 : f32
    %add3A_369 = arith.constant 256 : i32
    %add3A_370 = arith.addi %get3A_363, %add3A_369 : i32
    %sub3A_371 = arith.constant 1 : i32
    %sub3A_372 = arith.subi %add3A_370, %sub3A_371 : i32
    %jit3A_373 = arith.constant 256 : i32
    %div3A_374 = arith.divsi %sub3A_372, %jit3A_373 : i32
    %sign3A_375 = arith.constant 0 : i32
    %sign3A_376 = arith.cmpi sgt, %sub3A_372, %sign3A_375 : i32
    %sign3A_377 = arith.extui %sign3A_376 : i1 to i32
    %sign3A_378 = arith.constant 0 : i32
    %sign3A_379 = arith.cmpi slt, %sub3A_372, %sign3A_378 : i32
    %sign3A_380 = arith.extui %sign3A_379 : i1 to i32
    %sign3A_381 = arith.subi %sign3A_377, %sign3A_380 : i32
    %sign3A_382 = arith.constant 0 : i32
    %sign3A_383 = arith.cmpi sgt, %jit3A_373, %sign3A_382 : i32
    %sign3A_384 = arith.extui %sign3A_383 : i1 to i32
    %sign3A_385 = arith.constant 0 : i32
    %sign3A_386 = arith.cmpi slt, %jit3A_373, %sign3A_385 : i32
    %sign3A_387 = arith.extui %sign3A_386 : i1 to i32
    %sign3A_388 = arith.subi %sign3A_384, %sign3A_387 : i32
    %ne3A_389 = arith.cmpi ne, %sign3A_381, %sign3A_388 : i32
    %rem3A_390 = arith.remsi %sub3A_372, %jit3A_373 : i32
    %ne3A_391 = arith.constant 0 : i32
    %ne3A_392 = arith.cmpi ne, %rem3A_390, %ne3A_391 : i32
    %and3A_393 = arith.andi %ne3A_389, %ne3A_392 : i1
    %sub3A_394 = arith.constant 1 : i32
    %sub3A_395 = arith.subi %div3A_374, %sub3A_394 : i32
    %select_n3A_396 = arith.select %and3A_393, %sub3A_395, %div3A_374 : i32
    %add3A_397 = arith.constant 512 : i32
    %add3A_398 = arith.addi %sub3A_365, %add3A_397 : i32
    %sub3A_399 = arith.constant 1 : i32
    %sub3A_400 = arith.subi %add3A_398, %sub3A_399 : i32
    %jit3A_401 = arith.constant 512 : i32
    %div3A_402 = arith.divsi %sub3A_400, %jit3A_401 : i32
    %sign3A_403 = arith.constant 0 : i32
    %sign3A_404 = arith.cmpi sgt, %sub3A_400, %sign3A_403 : i32
    %sign3A_405 = arith.extui %sign3A_404 : i1 to i32
    %sign3A_406 = arith.constant 0 : i32
    %sign3A_407 = arith.cmpi slt, %sub3A_400, %sign3A_406 : i32
    %sign3A_408 = arith.extui %sign3A_407 : i1 to i32
    %sign3A_409 = arith.subi %sign3A_405, %sign3A_408 : i32
    %sign3A_410 = arith.constant 0 : i32
    %sign3A_411 = arith.cmpi sgt, %jit3A_401, %sign3A_410 : i32
    %sign3A_412 = arith.extui %sign3A_411 : i1 to i32
    %sign3A_413 = arith.constant 0 : i32
    %sign3A_414 = arith.cmpi slt, %jit3A_401, %sign3A_413 : i32
    %sign3A_415 = arith.extui %sign3A_414 : i1 to i32
    %sign3A_416 = arith.subi %sign3A_412, %sign3A_415 : i32
    %ne3A_417 = arith.cmpi ne, %sign3A_409, %sign3A_416 : i32
    %rem3A_418 = arith.remsi %sub3A_400, %jit3A_401 : i32
    %ne3A_419 = arith.constant 0 : i32
    %ne3A_420 = arith.cmpi ne, %rem3A_418, %ne3A_419 : i32
    %and3A_421 = arith.andi %ne3A_417, %ne3A_420 : i1
    %sub3A_422 = arith.constant 1 : i32
    %sub3A_423 = arith.subi %div3A_402, %sub3A_422 : i32
    %select_n3A_424 = arith.select %and3A_421, %sub3A_423, %div3A_402 : i32
    %while3A_425 = arith.constant 0 : i32
    %while3A_426 = arith.constant 0 : i32
    %while3A_427 = arith.subi %select_n3A_396, %while3A_426 : i32
    %while3A_428 = arith.addi %while3A_426, %while3A_427 : i32
    %while3A_429 = arith.constant 1 : i32
    %while3A_430 = arith.divsi %while3A_427, %while3A_429 : i32
    %while3A_431 = arith.muli %while3A_430, %while3A_429 : i32
    %while3A_432 = arith.addi %while3A_426, %while3A_431 : i32
    %while3A_433 = arith.constant 1 : i32
    scf.for %while3A_598 = %while3A_426 to %while3A_432 step %while3A_433  : i32 {
      %mul3A_599 = arith.constant 256 : i32
      %mul3A_600 = arith.muli %while3A_598, %mul3A_599 : i32
      %get3A_601 = arith.index_cast %mul3A_600 : i32 to index
      %get3A_602 = arith.constant 5 : index
      %get3A_603 = vector.load %arg1[%get3A_601, %get3A_602] : memref<2048x8xf32, #tpu.memory_space<vmem>>, vector<256x1xf32>
      %while3A_604 = arith.constant 0 : i32
      %while3A_605 = arith.subi %select_n3A_424, %while3A_604 : i32
      %while3A_606 = arith.addi %while3A_604, %while3A_605 : i32
      %while3A_607 = arith.constant 1 : i32
      %while3A_608 = arith.divsi %while3A_605, %while3A_607 : i32
      %while3A_609 = arith.muli %while3A_608, %while3A_607 : i32
      %while3A_610 = arith.addi %while3A_604, %while3A_609 : i32
      %while3A_611 = arith.constant 1 : i32
      scf.for %while3A_613 = %while3A_604 to %while3A_610 step %while3A_611  : i32 {
        %add3A_614 = arith.constant 20 : i32
        %add3A_615 = arith.addi %add3A_614, %while3A_613 : i32
        %get3A_616 = arith.index_cast %add3A_615 : i32 to index
        %get3A_617 = arith.constant 0 : index
        %get3A_618 = arith.constant 0 : index
        %get3A_619 = vector.load %arg2[%get3A_616, %get3A_617, %get3A_618] : memref<32x1x512xf32, #tpu.memory_space<vmem>>, vector<1x1x512xf32>
        %reshape3A = vector.shape_cast %get3A_619 : vector<1x1x512xf32> to vector<1x512xf32>
        %mul3A_620 = vector.broadcast %reshape3A : vector<1x512xf32> to vector<256x512xf32>
        %mul3A_621 = vector.broadcast %get3A_603 : vector<256x1xf32> to vector<256x512xf32>
        %mul3A_622 = arith.mulf %mul3A_620, %mul3A_621 : vector<256x512xf32>
        %add3A_623 = arith.constant 1.000000e+00 : f32
        %add3A_624 = vector.broadcast %add3A_623 : f32 to vector<256x512xf32>
        %add3A_625 = arith.addf %add3A_624, %mul3A_622 : vector<256x512xf32>
        %log3A = math.log %add3A_625 : vector<256x512xf32>
        %log3A_626 = arith.constant 2.000000e+00 : f32
        %log3A_627 = math.log %log3A_626 : f32
        %div3A_628 = vector.broadcast %log3A_627 : f32 to vector<256x512xf32>
        %div3A_629 = arith.divf %log3A, %div3A_628 : vector<256x512xf32>
        %get3A_630 = arith.constant 0 : index
        %get3A_631 = arith.constant 0 : index
        %get3A_632 = vector.load %arg5[%get3A_630, %get3A_631] : memref<256x512xf32, #tpu.memory_space<vmem>>, vector<256x512xf32>
        %add3A_633 = arith.addf %get3A_632, %div3A_629 : vector<256x512xf32>
        %swap3A_634 = arith.constant 0 : index
        %swap3A_635 = arith.constant 0 : index
        %swap3A_636 = vector.load %arg5[%swap3A_634, %swap3A_635] : memref<256x512xf32, #tpu.memory_space<vmem>>, vector<256x512xf32>
        tpu.vector_store %arg5[%swap3A_634, %swap3A_635], %add3A_633 {strides = array<i32>} : memref<256x512xf32, #tpu.memory_space<vmem>>, vector<256x512xf32>,
      }
      %while3A_612 = arith.constant 1 : i32
      scf.for %while3A_613 = %while3A_610 to %while3A_606 step %while3A_612  : i32 {
        %add3A_614 = arith.constant 20 : i32
        %add3A_615 = arith.addi %add3A_614, %while3A_613 : i32
        %get3A_616 = arith.index_cast %add3A_615 : i32 to index
        %get3A_617 = arith.constant 0 : index
        %get3A_618 = arith.constant 0 : index
        %get3A_619 = vector.load %arg2[%get3A_616, %get3A_617, %get3A_618] : memref<32x1x512xf32, #tpu.memory_space<vmem>>, vector<1x1x512xf32>
        %reshape3A = vector.shape_cast %get3A_619 : vector<1x1x512xf32> to vector<1x512xf32>
        %mul3A_620 = vector.broadcast %reshape3A : vector<1x512xf32> to vector<256x512xf32>
        %mul3A_621 = vector.broadcast %get3A_603 : vector<256x1xf32> to vector<256x512xf32>
        %mul3A_622 = arith.mulf %mul3A_620, %mul3A_621 : vector<256x512xf32>
        %add3A_623 = arith.constant 1.000000e+00 : f32
        %add3A_624 = vector.broadcast %add3A_623 : f32 to vector<256x512xf32>
        %add3A_625 = arith.addf %add3A_624, %mul3A_622 : vector<256x512xf32>
        %log3A = math.log %add3A_625 : vector<256x512xf32>
        %log3A_626 = arith.constant 2.000000e+00 : f32
        %log3A_627 = math.log %log3A_626 : f32
        %div3A_628 = vector.broadcast %log3A_627 : f32 to vector<256x512xf32>
        %div3A_629 = arith.divf %log3A, %div3A_628 : vector<256x512xf32>
        %get3A_630 = arith.constant 0 : index
        %get3A_631 = arith.constant 0 : index
        %get3A_632 = vector.load %arg5[%get3A_630, %get3A_631] : memref<256x512xf32, #tpu.memory_space<vmem>>, vector<256x512xf32>
        %add3A_633 = arith.addf %get3A_632, %div3A_629 : vector<256x512xf32>
        %swap3A_634 = arith.constant 0 : index
        %swap3A_635 = arith.constant 0 : index
        %swap3A_636 = vector.load %arg5[%swap3A_634, %swap3A_635] : memref<256x512xf32, #tpu.memory_space<vmem>>, vector<256x512xf32>
        tpu.vector_store %arg5[%swap3A_634, %swap3A_635], %add3A_633 {strides = array<i32>} : memref<256x512xf32, #tpu.memory_space<vmem>>, vector<256x512xf32>,
      }
    }
    %while3A_434 = arith.constant 1 : i32
    scf.for %while3A_598 = %while3A_432 to %while3A_428 step %while3A_434  : i32 {
      %mul3A_599 = arith.constant 256 : i32
      %mul3A_600 = arith.muli %while3A_598, %mul3A_599 : i32
      %get3A_601 = arith.index_cast %mul3A_600 : i32 to index
      %get3A_602 = arith.constant 5 : index
      %get3A_603 = vector.load %arg1[%get3A_601, %get3A_602] : memref<2048x8xf32, #tpu.memory_space<vmem>>, vector<256x1xf32>
      %while3A_604 = arith.constant 0 : i32
      %while3A_605 = arith.subi %select_n3A_424, %while3A_604 : i32
      %while3A_606 = arith.addi %while3A_604, %while3A_605 : i32
      %while3A_607 = arith.constant 1 : i32
      %while3A_608 = arith.divsi %while3A_605, %while3A_607 : i32
      %while3A_609 = arith.muli %while3A_608, %while3A_607 : i32
      %while3A_610 = arith.addi %while3A_604, %while3A_609 : i32
      %while3A_611 = arith.constant 1 : i32
      scf.for %while3A_613 = %while3A_604 to %while3A_610 step %while3A_611  : i32 {
        %add3A_614 = arith.constant 20 : i32
        %add3A_615 = arith.addi %add3A_614, %while3A_613 : i32
        %get3A_616 = arith.index_cast %add3A_615 : i32 to index
        %get3A_617 = arith.constant 0 : index
        %get3A_618 = arith.constant 0 : index
        %get3A_619 = vector.load %arg2[%get3A_616, %get3A_617, %get3A_618] : memref<32x1x512xf32, #tpu.memory_space<vmem>>, vector<1x1x512xf32>
        %reshape3A = vector.shape_cast %get3A_619 : vector<1x1x512xf32> to vector<1x512xf32>
        %mul3A_620 = vector.broadcast %reshape3A : vector<1x512xf32> to vector<256x512xf32>
        %mul3A_621 = vector.broadcast %get3A_603 : vector<256x1xf32> to vector<256x512xf32>
        %mul3A_622 = arith.mulf %mul3A_620, %mul3A_621 : vector<256x512xf32>
        %add3A_623 = arith.constant 1.000000e+00 : f32
        %add3A_624 = vector.broadcast %add3A_623 : f32 to vector<256x512xf32>
        %add3A_625 = arith.addf %add3A_624, %mul3A_622 : vector<256x512xf32>
        %log3A = math.log %add3A_625 : vector<256x512xf32>
        %log3A_626 = arith.constant 2.000000e+00 : f32
        %log3A_627 = math.log %log3A_626 : f32
        %div3A_628 = vector.broadcast %log3A_627 : f32 to vector<256x512xf32>
        %div3A_629 = arith.divf %log3A, %div3A_628 : vector<256x512xf32>
        %get3A_630 = arith.constant 0 : index
        %get3A_631 = arith.constant 0 : index
        %get3A_632 = vector.load %arg5[%get3A_630, %get3A_631] : memref<256x512xf32, #tpu.memory_space<vmem>>, vector<256x512xf32>
        %add3A_633 = arith.addf %get3A_632, %div3A_629 : vector<256x512xf32>
        %swap3A_634 = arith.constant 0 : index
        %swap3A_635 = arith.constant 0 : index
        %swap3A_636 = vector.load %arg5[%swap3A_634, %swap3A_635] : memref<256x512xf32, #tpu.memory_space<vmem>>, vector<256x512xf32>
        tpu.vector_store %arg5[%swap3A_634, %swap3A_635], %add3A_633 {strides = array<i32>} : memref<256x512xf32, #tpu.memory_space<vmem>>, vector<256x512xf32>,
      }
      %while3A_612 = arith.constant 1 : i32
      scf.for %while3A_613 = %while3A_610 to %while3A_606 step %while3A_612  : i32 {
        %add3A_614 = arith.constant 20 : i32
        %add3A_615 = arith.addi %add3A_614, %while3A_613 : i32
        %get3A_616 = arith.index_cast %add3A_615 : i32 to index
        %get3A_617 = arith.constant 0 : index
        %get3A_618 = arith.constant 0 : index
        %get3A_619 = vector.load %arg2[%get3A_616, %get3A_617, %get3A_618] : memref<32x1x512xf32, #tpu.memory_space<vmem>>, vector<1x1x512xf32>
        %reshape3A = vector.shape_cast %get3A_619 : vector<1x1x512xf32> to vector<1x512xf32>
        %mul3A_620 = vector.broadcast %reshape3A : vector<1x512xf32> to vector<256x512xf32>
        %mul3A_621 = vector.broadcast %get3A_603 : vector<256x1xf32> to vector<256x512xf32>
        %mul3A_622 = arith.mulf %mul3A_620, %mul3A_621 : vector<256x512xf32>
        %add3A_623 = arith.constant 1.000000e+00 : f32
        %add3A_624 = vector.broadcast %add3A_623 : f32 to vector<256x512xf32>
        %add3A_625 = arith.addf %add3A_624, %mul3A_622 : vector<256x512xf32>
        %log3A = math.log %add3A_625 : vector<256x512xf32>
        %log3A_626 = arith.constant 2.000000e+00 : f32
        %log3A_627 = math.log %log3A_626 : f32
        %div3A_628 = vector.broadcast %log3A_627 : f32 to vector<256x512xf32>
        %div3A_629 = arith.divf %log3A, %div3A_628 : vector<256x512xf32>
        %get3A_630 = arith.constant 0 : index
        %get3A_631 = arith.constant 0 : index
        %get3A_632 = vector.load %arg5[%get3A_630, %get3A_631] : memref<256x512xf32, #tpu.memory_space<vmem>>, vector<256x512xf32>
        %add3A_633 = arith.addf %get3A_632, %div3A_629 : vector<256x512xf32>
        %swap3A_634 = arith.constant 0 : index
        %swap3A_635 = arith.constant 0 : index
        %swap3A_636 = vector.load %arg5[%swap3A_634, %swap3A_635] : memref<256x512xf32, #tpu.memory_space<vmem>>, vector<256x512xf32>
        tpu.vector_store %arg5[%swap3A_634, %swap3A_635], %add3A_633 {strides = array<i32>} : memref<256x512xf32, #tpu.memory_space<vmem>>, vector<256x512xf32>,
      }
    }
    %get3A_435 = arith.constant 6 : index
    %get3A_436 = arith.constant 0 : index
    %get3A_437 = memref.load %arg0[%get3A_435, %get3A_436] : memref<8x16xi32, #tpu.memory_space<smem>>
    %sub3A_438 = arith.constant 2048 : i32
    %sub3A_439 = arith.subi %sub3A_438, %get3A_437 : i32
    %mul3A_440 = arith.muli %get3A_437, %sub3A_439 : i32
    %convert_element_type3A_441 = arith.sitofp %mul3A_440 : i32 to f32
    %add3A_442 = arith.addf %add3A_368, %convert_element_type3A_441 : f32
    %add3A_443 = arith.constant 256 : i32
    %add3A_444 = arith.addi %get3A_437, %add3A_443 : i32
    %sub3A_445 = arith.constant 1 : i32
    %sub3A_446 = arith.subi %add3A_444, %sub3A_445 : i32
    %jit3A_447 = arith.constant 256 : i32
    %div3A_448 = arith.divsi %sub3A_446, %jit3A_447 : i32
    %sign3A_449 = arith.constant 0 : i32
    %sign3A_450 = arith.cmpi sgt, %sub3A_446, %sign3A_449 : i32
    %sign3A_451 = arith.extui %sign3A_450 : i1 to i32
    %sign3A_452 = arith.constant 0 : i32
    %sign3A_453 = arith.cmpi slt, %sub3A_446, %sign3A_452 : i32
    %sign3A_454 = arith.extui %sign3A_453 : i1 to i32
    %sign3A_455 = arith.subi %sign3A_451, %sign3A_454 : i32
    %sign3A_456 = arith.constant 0 : i32
    %sign3A_457 = arith.cmpi sgt, %jit3A_447, %sign3A_456 : i32
    %sign3A_458 = arith.extui %sign3A_457 : i1 to i32
    %sign3A_459 = arith.constant 0 : i32
    %sign3A_460 = arith.cmpi slt, %jit3A_447, %sign3A_459 : i32
    %sign3A_461 = arith.extui %sign3A_460 : i1 to i32
    %sign3A_462 = arith.subi %sign3A_458, %sign3A_461 : i32
    %ne3A_463 = arith.cmpi ne, %sign3A_455, %sign3A_462 : i32
    %rem3A_464 = arith.remsi %sub3A_446, %jit3A_447 : i32
    %ne3A_465 = arith.constant 0 : i32
    %ne3A_466 = arith.cmpi ne, %rem3A_464, %ne3A_465 : i32
    %and3A_467 = arith.andi %ne3A_463, %ne3A_466 : i1
    %sub3A_468 = arith.constant 1 : i32
    %sub3A_469 = arith.subi %div3A_448, %sub3A_468 : i32
    %select_n3A_470 = arith.select %and3A_467, %sub3A_469, %div3A_448 : i32
    %add3A_471 = arith.constant 512 : i32
    %add3A_472 = arith.addi %sub3A_439, %add3A_471 : i32
    %sub3A_473 = arith.constant 1 : i32
    %sub3A_474 = arith.subi %add3A_472, %sub3A_473 : i32
    %jit3A_475 = arith.constant 512 : i32
    %div3A_476 = arith.divsi %sub3A_474, %jit3A_475 : i32
    %sign3A_477 = arith.constant 0 : i32
    %sign3A_478 = arith.cmpi sgt, %sub3A_474, %sign3A_477 : i32
    %sign3A_479 = arith.extui %sign3A_478 : i1 to i32
    %sign3A_480 = arith.constant 0 : i32
    %sign3A_481 = arith.cmpi slt, %sub3A_474, %sign3A_480 : i32
    %sign3A_482 = arith.extui %sign3A_481 : i1 to i32
    %sign3A_483 = arith.subi %sign3A_479, %sign3A_482 : i32
    %sign3A_484 = arith.constant 0 : i32
    %sign3A_485 = arith.cmpi sgt, %jit3A_475, %sign3A_484 : i32
    %sign3A_486 = arith.extui %sign3A_485 : i1 to i32
    %sign3A_487 = arith.constant 0 : i32
    %sign3A_488 = arith.cmpi slt, %jit3A_475, %sign3A_487 : i32
    %sign3A_489 = arith.extui %sign3A_488 : i1 to i32
    %sign3A_490 = arith.subi %sign3A_486, %sign3A_489 : i32
    %ne3A_491 = arith.cmpi ne, %sign3A_483, %sign3A_490 : i32
    %rem3A_492 = arith.remsi %sub3A_474, %jit3A_475 : i32
    %ne3A_493 = arith.constant 0 : i32
    %ne3A_494 = arith.cmpi ne, %rem3A_492, %ne3A_493 : i32
    %and3A_495 = arith.andi %ne3A_491, %ne3A_494 : i1
    %sub3A_496 = arith.constant 1 : i32
    %sub3A_497 = arith.subi %div3A_476, %sub3A_496 : i32
    %select_n3A_498 = arith.select %and3A_495, %sub3A_497, %div3A_476 : i32
    %while3A_499 = arith.constant 0 : i32
    %while3A_500 = arith.constant 0 : i32
    %while3A_501 = arith.subi %select_n3A_470, %while3A_500 : i32
    %while3A_502 = arith.addi %while3A_500, %while3A_501 : i32
    %while3A_503 = arith.constant 1 : i32
    %while3A_504 = arith.divsi %while3A_501, %while3A_503 : i32
    %while3A_505 = arith.muli %while3A_504, %while3A_503 : i32
    %while3A_506 = arith.addi %while3A_500, %while3A_505 : i32
    %while3A_507 = arith.constant 1 : i32
    scf.for %while3A_598 = %while3A_500 to %while3A_506 step %while3A_507  : i32 {
      %mul3A_599 = arith.constant 256 : i32
      %mul3A_600 = arith.muli %while3A_598, %mul3A_599 : i32
      %get3A_601 = arith.index_cast %mul3A_600 : i32 to index
      %get3A_602 = arith.constant 6 : index
      %get3A_603 = vector.load %arg1[%get3A_601, %get3A_602] : memref<2048x8xf32, #tpu.memory_space<vmem>>, vector<256x1xf32>
      %while3A_604 = arith.constant 0 : i32
      %while3A_605 = arith.subi %select_n3A_498, %while3A_604 : i32
      %while3A_606 = arith.addi %while3A_604, %while3A_605 : i32
      %while3A_607 = arith.constant 1 : i32
      %while3A_608 = arith.divsi %while3A_605, %while3A_607 : i32
      %while3A_609 = arith.muli %while3A_608, %while3A_607 : i32
      %while3A_610 = arith.addi %while3A_604, %while3A_609 : i32
      %while3A_611 = arith.constant 1 : i32
      scf.for %while3A_613 = %while3A_604 to %while3A_610 step %while3A_611  : i32 {
        %add3A_614 = arith.constant 24 : i32
        %add3A_615 = arith.addi %add3A_614, %while3A_613 : i32
        %get3A_616 = arith.index_cast %add3A_615 : i32 to index
        %get3A_617 = arith.constant 0 : index
        %get3A_618 = arith.constant 0 : index
        %get3A_619 = vector.load %arg2[%get3A_616, %get3A_617, %get3A_618] : memref<32x1x512xf32, #tpu.memory_space<vmem>>, vector<1x1x512xf32>
        %reshape3A = vector.shape_cast %get3A_619 : vector<1x1x512xf32> to vector<1x512xf32>
        %mul3A_620 = vector.broadcast %reshape3A : vector<1x512xf32> to vector<256x512xf32>
        %mul3A_621 = vector.broadcast %get3A_603 : vector<256x1xf32> to vector<256x512xf32>
        %mul3A_622 = arith.mulf %mul3A_620, %mul3A_621 : vector<256x512xf32>
        %add3A_623 = arith.constant 1.000000e+00 : f32
        %add3A_624 = vector.broadcast %add3A_623 : f32 to vector<256x512xf32>
        %add3A_625 = arith.addf %add3A_624, %mul3A_622 : vector<256x512xf32>
        %log3A = math.log %add3A_625 : vector<256x512xf32>
        %log3A_626 = arith.constant 2.000000e+00 : f32
        %log3A_627 = math.log %log3A_626 : f32
        %div3A_628 = vector.broadcast %log3A_627 : f32 to vector<256x512xf32>
        %div3A_629 = arith.divf %log3A, %div3A_628 : vector<256x512xf32>
        %get3A_630 = arith.constant 0 : index
        %get3A_631 = arith.constant 0 : index
        %get3A_632 = vector.load %arg5[%get3A_630, %get3A_631] : memref<256x512xf32, #tpu.memory_space<vmem>>, vector<256x512xf32>
        %add3A_633 = arith.addf %get3A_632, %div3A_629 : vector<256x512xf32>
        %swap3A_634 = arith.constant 0 : index
        %swap3A_635 = arith.constant 0 : index
        %swap3A_636 = vector.load %arg5[%swap3A_634, %swap3A_635] : memref<256x512xf32, #tpu.memory_space<vmem>>, vector<256x512xf32>
        tpu.vector_store %arg5[%swap3A_634, %swap3A_635], %add3A_633 {strides = array<i32>} : memref<256x512xf32, #tpu.memory_space<vmem>>, vector<256x512xf32>,
      }
      %while3A_612 = arith.constant 1 : i32
      scf.for %while3A_613 = %while3A_610 to %while3A_606 step %while3A_612  : i32 {
        %add3A_614 = arith.constant 24 : i32
        %add3A_615 = arith.addi %add3A_614, %while3A_613 : i32
        %get3A_616 = arith.index_cast %add3A_615 : i32 to index
        %get3A_617 = arith.constant 0 : index
        %get3A_618 = arith.constant 0 : index
        %get3A_619 = vector.load %arg2[%get3A_616, %get3A_617, %get3A_618] : memref<32x1x512xf32, #tpu.memory_space<vmem>>, vector<1x1x512xf32>
        %reshape3A = vector.shape_cast %get3A_619 : vector<1x1x512xf32> to vector<1x512xf32>
        %mul3A_620 = vector.broadcast %reshape3A : vector<1x512xf32> to vector<256x512xf32>
        %mul3A_621 = vector.broadcast %get3A_603 : vector<256x1xf32> to vector<256x512xf32>
        %mul3A_622 = arith.mulf %mul3A_620, %mul3A_621 : vector<256x512xf32>
        %add3A_623 = arith.constant 1.000000e+00 : f32
        %add3A_624 = vector.broadcast %add3A_623 : f32 to vector<256x512xf32>
        %add3A_625 = arith.addf %add3A_624, %mul3A_622 : vector<256x512xf32>
        %log3A = math.log %add3A_625 : vector<256x512xf32>
        %log3A_626 = arith.constant 2.000000e+00 : f32
        %log3A_627 = math.log %log3A_626 : f32
        %div3A_628 = vector.broadcast %log3A_627 : f32 to vector<256x512xf32>
        %div3A_629 = arith.divf %log3A, %div3A_628 : vector<256x512xf32>
        %get3A_630 = arith.constant 0 : index
        %get3A_631 = arith.constant 0 : index
        %get3A_632 = vector.load %arg5[%get3A_630, %get3A_631] : memref<256x512xf32, #tpu.memory_space<vmem>>, vector<256x512xf32>
        %add3A_633 = arith.addf %get3A_632, %div3A_629 : vector<256x512xf32>
        %swap3A_634 = arith.constant 0 : index
        %swap3A_635 = arith.constant 0 : index
        %swap3A_636 = vector.load %arg5[%swap3A_634, %swap3A_635] : memref<256x512xf32, #tpu.memory_space<vmem>>, vector<256x512xf32>
        tpu.vector_store %arg5[%swap3A_634, %swap3A_635], %add3A_633 {strides = array<i32>} : memref<256x512xf32, #tpu.memory_space<vmem>>, vector<256x512xf32>,
      }
    }
    %while3A_508 = arith.constant 1 : i32
    scf.for %while3A_598 = %while3A_506 to %while3A_502 step %while3A_508  : i32 {
      %mul3A_599 = arith.constant 256 : i32
      %mul3A_600 = arith.muli %while3A_598, %mul3A_599 : i32
      %get3A_601 = arith.index_cast %mul3A_600 : i32 to index
      %get3A_602 = arith.constant 6 : index
      %get3A_603 = vector.load %arg1[%get3A_601, %get3A_602] : memref<2048x8xf32, #tpu.memory_space<vmem>>, vector<256x1xf32>
      %while3A_604 = arith.constant 0 : i32
      %while3A_605 = arith.subi %select_n3A_498, %while3A_604 : i32
      %while3A_606 = arith.addi %while3A_604, %while3A_605 : i32
      %while3A_607 = arith.constant 1 : i32
      %while3A_608 = arith.divsi %while3A_605, %while3A_607 : i32
      %while3A_609 = arith.muli %while3A_608, %while3A_607 : i32
      %while3A_610 = arith.addi %while3A_604, %while3A_609 : i32
      %while3A_611 = arith.constant 1 : i32
      scf.for %while3A_613 = %while3A_604 to %while3A_610 step %while3A_611  : i32 {
        %add3A_614 = arith.constant 24 : i32
        %add3A_615 = arith.addi %add3A_614, %while3A_613 : i32
        %get3A_616 = arith.index_cast %add3A_615 : i32 to index
        %get3A_617 = arith.constant 0 : index
        %get3A_618 = arith.constant 0 : index
        %get3A_619 = vector.load %arg2[%get3A_616, %get3A_617, %get3A_618] : memref<32x1x512xf32, #tpu.memory_space<vmem>>, vector<1x1x512xf32>
        %reshape3A = vector.shape_cast %get3A_619 : vector<1x1x512xf32> to vector<1x512xf32>
        %mul3A_620 = vector.broadcast %reshape3A : vector<1x512xf32> to vector<256x512xf32>
        %mul3A_621 = vector.broadcast %get3A_603 : vector<256x1xf32> to vector<256x512xf32>
        %mul3A_622 = arith.mulf %mul3A_620, %mul3A_621 : vector<256x512xf32>
        %add3A_623 = arith.constant 1.000000e+00 : f32
        %add3A_624 = vector.broadcast %add3A_623 : f32 to vector<256x512xf32>
        %add3A_625 = arith.addf %add3A_624, %mul3A_622 : vector<256x512xf32>
        %log3A = math.log %add3A_625 : vector<256x512xf32>
        %log3A_626 = arith.constant 2.000000e+00 : f32
        %log3A_627 = math.log %log3A_626 : f32
        %div3A_628 = vector.broadcast %log3A_627 : f32 to vector<256x512xf32>
        %div3A_629 = arith.divf %log3A, %div3A_628 : vector<256x512xf32>
        %get3A_630 = arith.constant 0 : index
        %get3A_631 = arith.constant 0 : index
        %get3A_632 = vector.load %arg5[%get3A_630, %get3A_631] : memref<256x512xf32, #tpu.memory_space<vmem>>, vector<256x512xf32>
        %add3A_633 = arith.addf %get3A_632, %div3A_629 : vector<256x512xf32>
        %swap3A_634 = arith.constant 0 : index
        %swap3A_635 = arith.constant 0 : index
        %swap3A_636 = vector.load %arg5[%swap3A_634, %swap3A_635] : memref<256x512xf32, #tpu.memory_space<vmem>>, vector<256x512xf32>
        tpu.vector_store %arg5[%swap3A_634, %swap3A_635], %add3A_633 {strides = array<i32>} : memref<256x512xf32, #tpu.memory_space<vmem>>, vector<256x512xf32>,
      }
      %while3A_612 = arith.constant 1 : i32
      scf.for %while3A_613 = %while3A_610 to %while3A_606 step %while3A_612  : i32 {
        %add3A_614 = arith.constant 24 : i32
        %add3A_615 = arith.addi %add3A_614, %while3A_613 : i32
        %get3A_616 = arith.index_cast %add3A_615 : i32 to index
        %get3A_617 = arith.constant 0 : index
        %get3A_618 = arith.constant 0 : index
        %get3A_619 = vector.load %arg2[%get3A_616, %get3A_617, %get3A_618] : memref<32x1x512xf32, #tpu.memory_space<vmem>>, vector<1x1x512xf32>
        %reshape3A = vector.shape_cast %get3A_619 : vector<1x1x512xf32> to vector<1x512xf32>
        %mul3A_620 = vector.broadcast %reshape3A : vector<1x512xf32> to vector<256x512xf32>
        %mul3A_621 = vector.broadcast %get3A_603 : vector<256x1xf32> to vector<256x512xf32>
        %mul3A_622 = arith.mulf %mul3A_620, %mul3A_621 : vector<256x512xf32>
        %add3A_623 = arith.constant 1.000000e+00 : f32
        %add3A_624 = vector.broadcast %add3A_623 : f32 to vector<256x512xf32>
        %add3A_625 = arith.addf %add3A_624, %mul3A_622 : vector<256x512xf32>
        %log3A = math.log %add3A_625 : vector<256x512xf32>
        %log3A_626 = arith.constant 2.000000e+00 : f32
        %log3A_627 = math.log %log3A_626 : f32
        %div3A_628 = vector.broadcast %log3A_627 : f32 to vector<256x512xf32>
        %div3A_629 = arith.divf %log3A, %div3A_628 : vector<256x512xf32>
        %get3A_630 = arith.constant 0 : index
        %get3A_631 = arith.constant 0 : index
        %get3A_632 = vector.load %arg5[%get3A_630, %get3A_631] : memref<256x512xf32, #tpu.memory_space<vmem>>, vector<256x512xf32>
        %add3A_633 = arith.addf %get3A_632, %div3A_629 : vector<256x512xf32>
        %swap3A_634 = arith.constant 0 : index
        %swap3A_635 = arith.constant 0 : index
        %swap3A_636 = vector.load %arg5[%swap3A_634, %swap3A_635] : memref<256x512xf32, #tpu.memory_space<vmem>>, vector<256x512xf32>
        tpu.vector_store %arg5[%swap3A_634, %swap3A_635], %add3A_633 {strides = array<i32>} : memref<256x512xf32, #tpu.memory_space<vmem>>, vector<256x512xf32>,
      }
    }
    %get3A_509 = arith.constant 7 : index
    %get3A_510 = arith.constant 0 : index
    %get3A_511 = memref.load %arg0[%get3A_509, %get3A_510] : memref<8x16xi32, #tpu.memory_space<smem>>
    %sub3A_512 = arith.constant 2048 : i32
    %sub3A_513 = arith.subi %sub3A_512, %get3A_511 : i32
    %mul3A_514 = arith.muli %get3A_511, %sub3A_513 : i32
    %convert_element_type3A_515 = arith.sitofp %mul3A_514 : i32 to f32
    %add3A_516 = arith.addf %add3A_442, %convert_element_type3A_515 : f32
    %add3A_517 = arith.constant 256 : i32
    %add3A_518 = arith.addi %get3A_511, %add3A_517 : i32
    %sub3A_519 = arith.constant 1 : i32
    %sub3A_520 = arith.subi %add3A_518, %sub3A_519 : i32
    %jit3A_521 = arith.constant 256 : i32
    %div3A_522 = arith.divsi %sub3A_520, %jit3A_521 : i32
    %sign3A_523 = arith.constant 0 : i32
    %sign3A_524 = arith.cmpi sgt, %sub3A_520, %sign3A_523 : i32
    %sign3A_525 = arith.extui %sign3A_524 : i1 to i32
    %sign3A_526 = arith.constant 0 : i32
    %sign3A_527 = arith.cmpi slt, %sub3A_520, %sign3A_526 : i32
    %sign3A_528 = arith.extui %sign3A_527 : i1 to i32
    %sign3A_529 = arith.subi %sign3A_525, %sign3A_528 : i32
    %sign3A_530 = arith.constant 0 : i32
    %sign3A_531 = arith.cmpi sgt, %jit3A_521, %sign3A_530 : i32
    %sign3A_532 = arith.extui %sign3A_531 : i1 to i32
    %sign3A_533 = arith.constant 0 : i32
    %sign3A_534 = arith.cmpi slt, %jit3A_521, %sign3A_533 : i32
    %sign3A_535 = arith.extui %sign3A_534 : i1 to i32
    %sign3A_536 = arith.subi %sign3A_532, %sign3A_535 : i32
    %ne3A_537 = arith.cmpi ne, %sign3A_529, %sign3A_536 : i32
    %rem3A_538 = arith.remsi %sub3A_520, %jit3A_521 : i32
    %ne3A_539 = arith.constant 0 : i32
    %ne3A_540 = arith.cmpi ne, %rem3A_538, %ne3A_539 : i32
    %and3A_541 = arith.andi %ne3A_537, %ne3A_540 : i1
    %sub3A_542 = arith.constant 1 : i32
    %sub3A_543 = arith.subi %div3A_522, %sub3A_542 : i32
    %select_n3A_544 = arith.select %and3A_541, %sub3A_543, %div3A_522 : i32
    %add3A_545 = arith.constant 512 : i32
    %add3A_546 = arith.addi %sub3A_513, %add3A_545 : i32
    %sub3A_547 = arith.constant 1 : i32
    %sub3A_548 = arith.subi %add3A_546, %sub3A_547 : i32
    %jit3A_549 = arith.constant 512 : i32
    %div3A_550 = arith.divsi %sub3A_548, %jit3A_549 : i32
    %sign3A_551 = arith.constant 0 : i32
    %sign3A_552 = arith.cmpi sgt, %sub3A_548, %sign3A_551 : i32
    %sign3A_553 = arith.extui %sign3A_552 : i1 to i32
    %sign3A_554 = arith.constant 0 : i32
    %sign3A_555 = arith.cmpi slt, %sub3A_548, %sign3A_554 : i32
    %sign3A_556 = arith.extui %sign3A_555 : i1 to i32
    %sign3A_557 = arith.subi %sign3A_553, %sign3A_556 : i32
    %sign3A_558 = arith.constant 0 : i32
    %sign3A_559 = arith.cmpi sgt, %jit3A_549, %sign3A_558 : i32
    %sign3A_560 = arith.extui %sign3A_559 : i1 to i32
    %sign3A_561 = arith.constant 0 : i32
    %sign3A_562 = arith.cmpi slt, %jit3A_549, %sign3A_561 : i32
    %sign3A_563 = arith.extui %sign3A_562 : i1 to i32
    %sign3A_564 = arith.subi %sign3A_560, %sign3A_563 : i32
    %ne3A_565 = arith.cmpi ne, %sign3A_557, %sign3A_564 : i32
    %rem3A_566 = arith.remsi %sub3A_548, %jit3A_549 : i32
    %ne3A_567 = arith.constant 0 : i32
    %ne3A_568 = arith.cmpi ne, %rem3A_566, %ne3A_567 : i32
    %and3A_569 = arith.andi %ne3A_565, %ne3A_568 : i1
    %sub3A_570 = arith.constant 1 : i32
    %sub3A_571 = arith.subi %div3A_550, %sub3A_570 : i32
    %select_n3A_572 = arith.select %and3A_569, %sub3A_571, %div3A_550 : i32
    %while3A_573 = arith.constant 0 : i32
    %while3A_574 = arith.constant 0 : i32
    %while3A_575 = arith.subi %select_n3A_544, %while3A_574 : i32
    %while3A_576 = arith.addi %while3A_574, %while3A_575 : i32
    %while3A_577 = arith.constant 1 : i32
    %while3A_578 = arith.divsi %while3A_575, %while3A_577 : i32
    %while3A_579 = arith.muli %while3A_578, %while3A_577 : i32
    %while3A_580 = arith.addi %while3A_574, %while3A_579 : i32
    %while3A_581 = arith.constant 1 : i32
    scf.for %while3A_598 = %while3A_574 to %while3A_580 step %while3A_581  : i32 {
      %mul3A_599 = arith.constant 256 : i32
      %mul3A_600 = arith.muli %while3A_598, %mul3A_599 : i32
      %get3A_601 = arith.index_cast %mul3A_600 : i32 to index
      %get3A_602 = arith.constant 7 : index
      %get3A_603 = vector.load %arg1[%get3A_601, %get3A_602] : memref<2048x8xf32, #tpu.memory_space<vmem>>, vector<256x1xf32>
      %while3A_604 = arith.constant 0 : i32
      %while3A_605 = arith.subi %select_n3A_572, %while3A_604 : i32
      %while3A_606 = arith.addi %while3A_604, %while3A_605 : i32
      %while3A_607 = arith.constant 1 : i32
      %while3A_608 = arith.divsi %while3A_605, %while3A_607 : i32
      %while3A_609 = arith.muli %while3A_608, %while3A_607 : i32
      %while3A_610 = arith.addi %while3A_604, %while3A_609 : i32
      %while3A_611 = arith.constant 1 : i32
      scf.for %while3A_613 = %while3A_604 to %while3A_610 step %while3A_611  : i32 {
        %add3A_614 = arith.constant 28 : i32
        %add3A_615 = arith.addi %add3A_614, %while3A_613 : i32
        %get3A_616 = arith.index_cast %add3A_615 : i32 to index
        %get3A_617 = arith.constant 0 : index
        %get3A_618 = arith.constant 0 : index
        %get3A_619 = vector.load %arg2[%get3A_616, %get3A_617, %get3A_618] : memref<32x1x512xf32, #tpu.memory_space<vmem>>, vector<1x1x512xf32>
        %reshape3A = vector.shape_cast %get3A_619 : vector<1x1x512xf32> to vector<1x512xf32>
        %mul3A_620 = vector.broadcast %reshape3A : vector<1x512xf32> to vector<256x512xf32>
        %mul3A_621 = vector.broadcast %get3A_603 : vector<256x1xf32> to vector<256x512xf32>
        %mul3A_622 = arith.mulf %mul3A_620, %mul3A_621 : vector<256x512xf32>
        %add3A_623 = arith.constant 1.000000e+00 : f32
        %add3A_624 = vector.broadcast %add3A_623 : f32 to vector<256x512xf32>
        %add3A_625 = arith.addf %add3A_624, %mul3A_622 : vector<256x512xf32>
        %log3A = math.log %add3A_625 : vector<256x512xf32>
        %log3A_626 = arith.constant 2.000000e+00 : f32
        %log3A_627 = math.log %log3A_626 : f32
        %div3A_628 = vector.broadcast %log3A_627 : f32 to vector<256x512xf32>
        %div3A_629 = arith.divf %log3A, %div3A_628 : vector<256x512xf32>
        %get3A_630 = arith.constant 0 : index
        %get3A_631 = arith.constant 0 : index
        %get3A_632 = vector.load %arg5[%get3A_630, %get3A_631] : memref<256x512xf32, #tpu.memory_space<vmem>>, vector<256x512xf32>
        %add3A_633 = arith.addf %get3A_632, %div3A_629 : vector<256x512xf32>
        %swap3A_634 = arith.constant 0 : index
        %swap3A_635 = arith.constant 0 : index
        %swap3A_636 = vector.load %arg5[%swap3A_634, %swap3A_635] : memref<256x512xf32, #tpu.memory_space<vmem>>, vector<256x512xf32>
        tpu.vector_store %arg5[%swap3A_634, %swap3A_635], %add3A_633 {strides = array<i32>} : memref<256x512xf32, #tpu.memory_space<vmem>>, vector<256x512xf32>,
      }
      %while3A_612 = arith.constant 1 : i32
      scf.for %while3A_613 = %while3A_610 to %while3A_606 step %while3A_612  : i32 {
        %add3A_614 = arith.constant 28 : i32
        %add3A_615 = arith.addi %add3A_614, %while3A_613 : i32
        %get3A_616 = arith.index_cast %add3A_615 : i32 to index
        %get3A_617 = arith.constant 0 : index
        %get3A_618 = arith.constant 0 : index
        %get3A_619 = vector.load %arg2[%get3A_616, %get3A_617, %get3A_618] : memref<32x1x512xf32, #tpu.memory_space<vmem>>, vector<1x1x512xf32>
        %reshape3A = vector.shape_cast %get3A_619 : vector<1x1x512xf32> to vector<1x512xf32>
        %mul3A_620 = vector.broadcast %reshape3A : vector<1x512xf32> to vector<256x512xf32>
        %mul3A_621 = vector.broadcast %get3A_603 : vector<256x1xf32> to vector<256x512xf32>
        %mul3A_622 = arith.mulf %mul3A_620, %mul3A_621 : vector<256x512xf32>
        %add3A_623 = arith.constant 1.000000e+00 : f32
        %add3A_624 = vector.broadcast %add3A_623 : f32 to vector<256x512xf32>
        %add3A_625 = arith.addf %add3A_624, %mul3A_622 : vector<256x512xf32>
        %log3A = math.log %add3A_625 : vector<256x512xf32>
        %log3A_626 = arith.constant 2.000000e+00 : f32
        %log3A_627 = math.log %log3A_626 : f32
        %div3A_628 = vector.broadcast %log3A_627 : f32 to vector<256x512xf32>
        %div3A_629 = arith.divf %log3A, %div3A_628 : vector<256x512xf32>
        %get3A_630 = arith.constant 0 : index
        %get3A_631 = arith.constant 0 : index
        %get3A_632 = vector.load %arg5[%get3A_630, %get3A_631] : memref<256x512xf32, #tpu.memory_space<vmem>>, vector<256x512xf32>
        %add3A_633 = arith.addf %get3A_632, %div3A_629 : vector<256x512xf32>
        %swap3A_634 = arith.constant 0 : index
        %swap3A_635 = arith.constant 0 : index
        %swap3A_636 = vector.load %arg5[%swap3A_634, %swap3A_635] : memref<256x512xf32, #tpu.memory_space<vmem>>, vector<256x512xf32>
        tpu.vector_store %arg5[%swap3A_634, %swap3A_635], %add3A_633 {strides = array<i32>} : memref<256x512xf32, #tpu.memory_space<vmem>>, vector<256x512xf32>,
      }
    }
    %while3A_582 = arith.constant 1 : i32
    scf.for %while3A_598 = %while3A_580 to %while3A_576 step %while3A_582  : i32 {
      %mul3A_599 = arith.constant 256 : i32
      %mul3A_600 = arith.muli %while3A_598, %mul3A_599 : i32
      %get3A_601 = arith.index_cast %mul3A_600 : i32 to index
      %get3A_602 = arith.constant 7 : index
      %get3A_603 = vector.load %arg1[%get3A_601, %get3A_602] : memref<2048x8xf32, #tpu.memory_space<vmem>>, vector<256x1xf32>
      %while3A_604 = arith.constant 0 : i32
      %while3A_605 = arith.subi %select_n3A_572, %while3A_604 : i32
      %while3A_606 = arith.addi %while3A_604, %while3A_605 : i32
      %while3A_607 = arith.constant 1 : i32
      %while3A_608 = arith.divsi %while3A_605, %while3A_607 : i32
      %while3A_609 = arith.muli %while3A_608, %while3A_607 : i32
      %while3A_610 = arith.addi %while3A_604, %while3A_609 : i32
      %while3A_611 = arith.constant 1 : i32
      scf.for %while3A_613 = %while3A_604 to %while3A_610 step %while3A_611  : i32 {
        %add3A_614 = arith.constant 28 : i32
        %add3A_615 = arith.addi %add3A_614, %while3A_613 : i32
        %get3A_616 = arith.index_cast %add3A_615 : i32 to index
        %get3A_617 = arith.constant 0 : index
        %get3A_618 = arith.constant 0 : index
        %get3A_619 = vector.load %arg2[%get3A_616, %get3A_617, %get3A_618] : memref<32x1x512xf32, #tpu.memory_space<vmem>>, vector<1x1x512xf32>
        %reshape3A = vector.shape_cast %get3A_619 : vector<1x1x512xf32> to vector<1x512xf32>
        %mul3A_620 = vector.broadcast %reshape3A : vector<1x512xf32> to vector<256x512xf32>
        %mul3A_621 = vector.broadcast %get3A_603 : vector<256x1xf32> to vector<256x512xf32>
        %mul3A_622 = arith.mulf %mul3A_620, %mul3A_621 : vector<256x512xf32>
        %add3A_623 = arith.constant 1.000000e+00 : f32
        %add3A_624 = vector.broadcast %add3A_623 : f32 to vector<256x512xf32>
        %add3A_625 = arith.addf %add3A_624, %mul3A_622 : vector<256x512xf32>
        %log3A = math.log %add3A_625 : vector<256x512xf32>
        %log3A_626 = arith.constant 2.000000e+00 : f32
        %log3A_627 = math.log %log3A_626 : f32
        %div3A_628 = vector.broadcast %log3A_627 : f32 to vector<256x512xf32>
        %div3A_629 = arith.divf %log3A, %div3A_628 : vector<256x512xf32>
        %get3A_630 = arith.constant 0 : index
        %get3A_631 = arith.constant 0 : index
        %get3A_632 = vector.load %arg5[%get3A_630, %get3A_631] : memref<256x512xf32, #tpu.memory_space<vmem>>, vector<256x512xf32>
        %add3A_633 = arith.addf %get3A_632, %div3A_629 : vector<256x512xf32>
        %swap3A_634 = arith.constant 0 : index
        %swap3A_635 = arith.constant 0 : index
        %swap3A_636 = vector.load %arg5[%swap3A_634, %swap3A_635] : memref<256x512xf32, #tpu.memory_space<vmem>>, vector<256x512xf32>
        tpu.vector_store %arg5[%swap3A_634, %swap3A_635], %add3A_633 {strides = array<i32>} : memref<256x512xf32, #tpu.memory_space<vmem>>, vector<256x512xf32>,
      }
      %while3A_612 = arith.constant 1 : i32
      scf.for %while3A_613 = %while3A_610 to %while3A_606 step %while3A_612  : i32 {
        %add3A_614 = arith.constant 28 : i32
        %add3A_615 = arith.addi %add3A_614, %while3A_613 : i32
        %get3A_616 = arith.index_cast %add3A_615 : i32 to index
        %get3A_617 = arith.constant 0 : index
        %get3A_618 = arith.constant 0 : index
        %get3A_619 = vector.load %arg2[%get3A_616, %get3A_617, %get3A_618] : memref<32x1x512xf32, #tpu.memory_space<vmem>>, vector<1x1x512xf32>
        %reshape3A = vector.shape_cast %get3A_619 : vector<1x1x512xf32> to vector<1x512xf32>
        %mul3A_620 = vector.broadcast %reshape3A : vector<1x512xf32> to vector<256x512xf32>
        %mul3A_621 = vector.broadcast %get3A_603 : vector<256x1xf32> to vector<256x512xf32>
        %mul3A_622 = arith.mulf %mul3A_620, %mul3A_621 : vector<256x512xf32>
        %add3A_623 = arith.constant 1.000000e+00 : f32
        %add3A_624 = vector.broadcast %add3A_623 : f32 to vector<256x512xf32>
        %add3A_625 = arith.addf %add3A_624, %mul3A_622 : vector<256x512xf32>
        %log3A = math.log %add3A_625 : vector<256x512xf32>
        %log3A_626 = arith.constant 2.000000e+00 : f32
        %log3A_627 = math.log %log3A_626 : f32
        %div3A_628 = vector.broadcast %log3A_627 : f32 to vector<256x512xf32>
        %div3A_629 = arith.divf %log3A, %div3A_628 : vector<256x512xf32>
        %get3A_630 = arith.constant 0 : index
        %get3A_631 = arith.constant 0 : index
        %get3A_632 = vector.load %arg5[%get3A_630, %get3A_631] : memref<256x512xf32, #tpu.memory_space<vmem>>, vector<256x512xf32>
        %add3A_633 = arith.addf %get3A_632, %div3A_629 : vector<256x512xf32>
        %swap3A_634 = arith.constant 0 : index
        %swap3A_635 = arith.constant 0 : index
        %swap3A_636 = vector.load %arg5[%swap3A_634, %swap3A_635] : memref<256x512xf32, #tpu.memory_space<vmem>>, vector<256x512xf32>
        tpu.vector_store %arg5[%swap3A_634, %swap3A_635], %add3A_633 {strides = array<i32>} : memref<256x512xf32, #tpu.memory_space<vmem>>, vector<256x512xf32>,
      }
    }
    %get3A_583 = arith.constant 0 : index
    %get3A_584 = arith.constant 0 : index
    %get3A_585 = vector.load %arg5[%get3A_583, %get3A_584] : memref<256x512xf32, #tpu.memory_space<vmem>>, vector<256x512xf32>
    %reduce_sum3A = vector.shape_cast %get3A_585 : vector<256x512xf32> to vector<1x256x512xf32>
    %reduce_sum3A_586 = arith.constant dense<0.000000e+00> : vector<1xf32>
    %reduce_sum3A_587 = vector.multi_reduction <add>, %reduce_sum3A, %reduce_sum3A_586 [1, 2] : vector<1x256x512xf32> to vector<1xf32>
    %reduce_sum3A_588 = vector.shape_cast %reduce_sum3A_587 : vector<1xf32> to vector<1x1x1xf32>
    %reduce_sum3A_589 = vector.extract %reduce_sum3A_588[0, 0, 0] : f32 from vector<1x1x1xf32>
    %mul3A_590 = arith.constant 0.693147182 : f32
    %mul3A_591 = arith.mulf %reduce_sum3A_589, %mul3A_590 : f32
    %swap3A_592 = arith.constant 0 : index
    %swap3A_593 = arith.constant 0 : index
    %swap3A_594 = memref.load %arg3[%swap3A_592, %swap3A_593] : memref<1x1xf32, #tpu.memory_space<smem>>
    memref.store %mul3A_591, %arg3[%swap3A_592, %swap3A_593] : memref<1x1xf32, #tpu.memory_space<smem>>
    %swap3A_595 = arith.constant 0 : index
    %swap3A_596 = arith.constant 0 : index
    %swap3A_597 = memref.load %arg4[%swap3A_595, %swap3A_596] : memref<1x1xf32, #tpu.memory_space<smem>>
    memref.store %add3A_516, %arg4[%swap3A_595, %swap3A_596] : memref<1x1xf32, #tpu.memory_space<smem>>
    return
  }
}

</mosaic_0001>

<sc_bundles>
// kernel: kernel.4.cloned.1.call-start
scs
__scs_entry_jumppad:
0x0: {  	(pc) =	sbr.rel $0x88, $3  }
0x1: {  	(tag) =	ssettag $0x0;
	lr =	simm.s32 $0x1  }
0x2: {  	[smem:$0x3F9F] =	sst lr;
	_ =	strace $0xD0000000  }
0x3: {  	_ = 	snop  }
0x4: {  	_ = 	snop  }
0x5: {  	_ = 	snop  }
0x6: {  	_ = 	snop  }
0x7: {  	_ = 	snop  }
__scs_overlays_trampoline_lowered:
0x8: {  	[smem:$0x3FAE] =	sst s0  }
0x9: {  	[smem:$0x3FAF] =	sst s1  }
0xa: {  	[smem:$0x3FB0] =	sst s2  }
0xb: {  	[smem:$0x3FB1] =	sst s3  }
0xc: {  	[smem:$0x3FB2] =	sst s4  }
0xd: {  	[smem:$0x3FB3] =	sst s5  }
0xe: {  	[smem:$0x3FB4] =	sst s6  }
0xf: {  	[smem:$0x3FB5] =	sst s7  }
0x10: {  	[smem:$0x3FB6] =	sst s8  }
0x11: {  	[smem:$0x3FB7] =	sst s9;
	s0 =	simm.s32 @!p0 $0x0  }
0x12: {  	s1 =	sld [smem:$0x3F9D];
	s0 =	simm.s32 @p0 $0x1  }
0x13: {  	[smem:$0x3FB8] =	sst s0;
	s0 =	simm.s32 @!p1 $0x0  }
0x14: {  	s2 =	sld [smem:$0x3F9C];
	s0 =	simm.s32 @p1 $0x1  }
0x15: {  	[smem:$0x3FB9] =	sst s0;
	s0 =	simm.s32 @!p2 $0x0  }
0x16: {  	s3 =	sld [smem:$0x3FDB];
	s0 =	simm.s32 @p2 $0x1  }
0x17: {  	s4 =	simm.s32 $0x1BF5;
	[smem:$0x3FBB] =	sst s0  }
0x18: {  	s0 =	sld [smem:$0x3F9E];
	_ =	swait.ge [sflag:s4], $0x0  }
0x19: {  	s7 =	sld [smem:$0x3F9F]  }
0x1a: {  	s8 =	sadd.s32 $0xFFFFE003, lr  }
0x1b: {  	s9 =	sadd.s32 $0xFFFFFEF7, lr;
	s5 =	simm.s32 $0xFFFFFFFF;
	p2 =	slt.u32 s8, $0xFFFFF086  }
0x1c: {  	p1 =	slt.u32 s9, $0xF7A;
	s5 =	simm.s32 @!p2 $0x0  }
0x1d: {  	s5 =	simm.s32 @p1 $0x1;
	p0 =	seq.s32 s7, s2  }
0x1e: {  	s7 =	smul.u32 @!p0 $0xF7A, s2;
	p2 =	seq.s32 @!p0 s5, $0x0  }
0x1f: {  	s9 =	smul.u32 $0xF7A, s1;
	s8 =	simm.s32 @!p0 $0x1BF5;
	p2 =	por !p2, p0  }
0x20: {  	[sflag:s8] =	ssyncset.s32 @!p0 $0xFFFFF086;
	s6 =	sadd.s32 @!p0 s3, s7;
	s7 =	simm.s32 @!p0 $0x108  }
0x21: {  	s3 =	sadd.s32 s3, s9;
	s6 =	sadd.s32 @!p0 $0x88, s6;
	s7 =	simm.s32 @p2 $0x1082  }
0x22: {  	[simem:s7], [sflag:s8] =	dma.local @!p0 [hbm:s6], $0xF7A  }
0x23: {  	s9 =	sor.u32 $0xD0000000, s2;
	s6 =	simm.s32 $0x108;
	_ =	swait.ge @!p0 [sflag:s8], $0x0  }
0x24: {  	s3 =	sadd.s32 $0x88, s3;
	s6 =	simm.s32 @!p1 $0x1082;
	[sflag:s4] =	ssyncset.s32 $0xFFFFF086  }
0x25: {  	[simem:s6], [sflag:s4] =	dma.local [hbm:s3], $0xF7A  }
0x26: {  	[smem:$0x3F9F] =	sst s1;
	(tag) =	ssettag s2;
	_ =	strace s9  }
0x27: {  	s1 =	sld [smem:$0x3FAF]  }
0x28: {  	s2 =	sld [smem:$0x3FB0]  }
0x29: {  	s4 =	sld [smem:$0x3FB2]  }
0x2a: {  	p0 =	seq.s32 s5, $0x0;
	s5 =	sld [smem:$0x3FB3]  }
0x2b: {  	s6 =	sld [smem:$0x3FB4]  }
0x2c: {  	s7 =	sld [smem:$0x3FB5]  }
0x2d: {  	s3 =	simm.s32 $0x108;
	s8 =	sld [smem:$0x3FB6]  }
0x2e: {  	s3 =	simm.s32 @!p0 $0x1082;
	s9 =	sld [smem:$0x3FB7]  }
0x2f: {  	lr =	sadd.s32 s0, s3;
	s0 =	sld [smem:$0x3FAE]  }
0x30: {  	s3 =	sld [smem:$0x3FB1]  }
0x31: {  	[smem:$0x3FBA] =	sst s10  }
0x32: {  	s10 =	sld [smem:$0x3FB8];
	_ =	sdelay $0x3  }
0x33: {  	p0 =	seq.s32 s10, $0x1;
	s10 =	sld [smem:$0x3FBA];
	_ =	sdelay $0x3  }
0x34: {  	[smem:$0x3FBA] =	sst s10  }
0x35: {  	s10 =	sld [smem:$0x3FB9];
	_ =	sdelay $0x3  }
0x36: {  	p1 =	seq.s32 s10, $0x1;
	s10 =	sld [smem:$0x3FBA];
	_ =	sdelay $0x3  }
0x37: {  	[smem:$0x3FBA] =	sst s10  }
0x38: {  	s10 =	sld [smem:$0x3FBB]  }
0x39: {  	_ = 	snop;
	(pc) =	sbr.ind lr, $3  }
0x3a: {  	_ = 	snop  }
0x3b: {  	_ = 	snop  }
0x3c: {  	p2 =	seq.s32 s10, $0x1;
	s10 =	sld [smem:$0x3FBA]  }
0x3d: {  	_ =	shalt  }
0x3e: {  	_ =	shalt  }
0x3f: {  	_ =	shalt  }
0x40: {  	_ =	shalt  }
0x41: {  	_ =	shalt  }
0x42: {  	_ =	shalt  }
0x43: {  	_ =	shalt  }
0x44: {  	_ =	shalt  }
0x45: {  	_ =	shalt  }
0x46: {  	_ =	shalt  }
0x47: {  	_ =	shalt  }
0x48: {  	_ =	shalt  }
0x49: {  	_ =	shalt  }
0x4a: {  	_ =	shalt  }
0x4b: {  	_ =	shalt  }
0x4c: {  	_ =	shalt  }
0x4d: {  	_ =	shalt  }
0x4e: {  	_ =	shalt  }
0x4f: {  	_ =	shalt  }
0x50: {  	_ =	shalt  }
0x51: {  	_ =	shalt  }
0x52: {  	_ =	shalt  }
0x53: {  	_ =	shalt  }
0x54: {  	_ =	shalt  }
0x55: {  	_ =	shalt  }
0x56: {  	_ =	shalt  }
0x57: {  	_ =	shalt  }
0x58: {  	_ =	shalt  }
0x59: {  	_ =	shalt  }
0x5a: {  	_ =	shalt  }
0x5b: {  	_ =	shalt  }
0x5c: {  	_ =	shalt  }
0x5d: {  	_ =	shalt  }
0x5e: {  	_ =	shalt  }
0x5f: {  	_ =	shalt  }
0x60: {  	_ =	shalt  }
0x61: {  	_ =	shalt  }
0x62: {  	_ =	shalt  }
0x63: {  	_ =	shalt  }
0x64: {  	_ =	shalt  }
0x65: {  	_ =	shalt  }
0x66: {  	_ =	shalt  }
0x67: {  	_ =	shalt  }
0x68: {  	_ =	shalt  }
0x69: {  	_ =	shalt  }
0x6a: {  	_ =	shalt  }
0x6b: {  	_ =	shalt  }
0x6c: {  	_ =	shalt  }
0x6d: {  	_ =	shalt  }
0x6e: {  	_ =	shalt  }
0x6f: {  	_ =	shalt  }
0x70: {  	_ =	shalt  }
0x71: {  	_ =	shalt  }
0x72: {  	_ =	shalt  }
0x73: {  	_ =	shalt  }
0x74: {  	_ =	shalt  }
0x75: {  	_ =	shalt  }
0x76: {  	_ =	shalt  }
0x77: {  	_ =	shalt  }
0x78: {  	_ =	shalt  }
0x79: {  	_ =	shalt  }
0x7a: {  	_ =	shalt  }
0x7b: {  	_ =	shalt  }
0x7c: {  	_ =	shalt  }
0x7d: {  	_ =	shalt  }
0x7e: {  	_ =	shalt  }
0x7f: {  	_ =	shalt  }
0x80: {  	_ =	shalt  }
0x81: {  	_ =	shalt  }
0x82: {  	_ =	shalt  }
0x83: {  	_ =	shalt  }
0x84: {  	_ =	shalt  }
0x85: {  	_ =	shalt  }
0x86: {  	_ =	shalt  }
0x87: {  	_ =	shalt  }
.Lfunc_end0:
.L_simem_size_0:
called_computation_lowered:
.L_overlay_start_0:
0x88: {  	s2 =	sld [smem:$0x3FD9]  }
0x89: {  	s3 =	sld [smem:$0x3FFE];
	_ =	sdelay $0x1  }
0x8a: {  	s1 =	srdreg.scid  }
0x8b: {  	s0 =	sand.u32 $0x1, s1  }
0x8c: {  	s17 =	sshll.u32 s0, $0xA;
	s2 =	sadd.s32 s3, s2  }
0x8d: {  	s2 =	sadd.s32 s2, s17  }
0x8e: {  	[smem:$0x3FC6] =	sst s2  }
0x8f: {  	_ = 	snop  }
0x90: {  	s2 =	sld [smem:$0x3FC9]  }
0x91: {  	s18 =	sld [smem:$0x3FC8];
	(tm) =	ssettm $0x1  }
0x92: {  	s4 =	sld [smem:$0x3FFB];
	_ =	sdelay $0x3  }
0x93: {  	_ =	strace s4  }
0x94: {  	s4 =	sld [smem:$0x3FFC];
	_ =	sdelay $0x3  }
0x95: {  	_ =	strace s4  }
0x96: {  	s4 =	sld [smem:$0x3FFD];
	_ =	sdelay $0x3  }
0x97: {  	_ =	strace s4  }
0x98: {  	_ =	strace $0x8FFFFFFF  }
0x99: {  	s19 =	sld [smem:$0x3FDB];
	_ =	sdelay $0x1  }
0x9a: {  	s5 =	simm.s32 $_scs_section_size  }
0x9b: {  	s6 =	simm.s32 $_size__tile_overlayer_lowered;
	s7 =	simm.s32 $_tile_overlayer_lowered  }
0x9c: {  	s22 =	simm.s32 $0x1BFF;
	s21 =	sshll.u32 s7, $0x1;
	s4 =	sadd.s32 s5, s19  }
0x9d: {  	s8 =	simm.s32 $0x0;
	s20 =	sshll.u32 s6, $0x1;
	s6 =	sadd.s32 s21, s4  }
0x9e: {  	[timem:s8], [sflag:s22] =	dma.local [hbm:s6], s20  }
0x9f: {  	_ =	swait.ge [sflag:s22], s20  }
0xa0: {  	s5 =	ssub.s32 $0x0, s20;
	[sflag:s22] =	ssyncset.done $0x0  }
0xa1: {  	[sflag:s22] =	ssyncadd.s32 s5;
	_ =	sdelay $0x1  }
0xa2: {  	s23 =	simm.s32 $0x1B8B  }
0xa3: {  	_ =	swait.ge [sflag:s23], $0x1  }
0xa4: {  	[sflag:s23] =	ssyncset.done $0x0  }
0xa5: {  	s25 =	simm.s32 $0x1B8E;
	s24 =	sld [smem:$0x3FFE];
	[sflag:s23] =	ssyncadd.s32 $0xFFFFFFFF  }
0xa6: {  	s26 =	simm.s32 $execute0_lowered;
	[smem:$0x3FD2] =	sst s25  }
0xa7: {  	s6 =	sshll.u32 s26, $0x1;
	_ =	strace $0x80000046;
	[dreg:$0x1] =	wrdreg $0xFFFFFFFF  }
0xa8: {  	s28 =	simm.s32 $_size_execute0_lowered;
	s4 =	sadd.s32 s4, s6;
	[dreg:$0x0] =	wrdreg $0x0  }
0xa9: {  	s6 =	sshll.u32 s28, $0x1;
	[dreg:$0x2] =	wrdreg s4  }
0xaa: {  	[dreg:$0x3] =	wrdreg s6  }
0xab: {  	[dreg:$0x4] =	wrdreg $0xC0  }
0xac: {  	_ =	task [dreg:s8], $0x5FFFF  }
0xad: {  	[dreg:$0x1] =	wrdreg $0xFFFFFFFF  }
0xae: {  	[dreg:$0x0] =	wrdreg $0x60  }
0xaf: {  	[dreg:$0x2] =	wrdreg s2  }
0xb0: {  	[dreg:$0x3] =	wrdreg s18  }
0xb1: {  	[dreg:$0x4] =	wrdreg s24  }
0xb2: {  	[dreg:$0x5] =	wrdreg $0x9  }
0xb3: {  	_ =	task.clear_ibuf [dreg:s8], $0x6FFFF;
	_ =	strace $0x90000046  }
0xb4: {  	s29 =	simm.s32 $0x9;
	_ =	strace $0x80000048  }
0xb5: {  	_ =	swait.ge [sflag:s29], $0x1  }
0xb6: {  	[sflag:s29] =	ssyncadd.s32 $0xFFFFFFFF  }
0xb7: {  	_ =	strace $0x90000048  }
0xb8: {  	_ =	sfence  }
0xb9: {  	s30 =	sld [smem:$0x0];
	_ =	sdelay $0x2  }
0xba: {  	s31 =	sshll.u32 s1, $0xD;
	s1 =	sshrl.u32 s1, $0x2  }
0xbb: {  	s3 =	sand.u32 $0x4000, s31;
	s1 =	sadd.s32 s1, s30  }
0xbc: {  	s0 =	sor.u32 s3, s0;
	s1 =	sshll.u32 s1, $0x11  }
0xbd: {  	s0 =	sor.u32 s1, s0  }
0xbe: {  	s0 =	sadd.s32 $0x8F2B, s0  }
0xbf: {  	[sflag:s0] =	ssyncadd.remote.s32 $0x1  }
0xc0: {  	_ =	sfence.sel $0xFFFF  }
0xc1: {  	[dreg:$0x0] =	wrdreg $0xFFFFFFFF;
	(pc) =	sbr.abs _section_cstart, $3  }
0xc2: {  	[dreg:$0x1] =	wrdreg $0xFFFFFFFF  }
0xc3: {  	_ =	task.clear_ibuf [dreg:s8], $0x2FFFF;
	_ =	strace $0x9FFFFFFF  }
0xc4: {  	(tm) =	ssettm $0x7FFFFFFF  }
0xc5: {  	_ =	shalt  }
tec
execute0_lowered:
.L_overlay_start_1:
0x0: {  	(tag) =	ssettag $0x1  }
0x1: {  	s1 =	stileid.u32  }
0x2: {  	p0 =	sgt.u32 s1, $0x3  }
.Ltmp0:
0x3: {  	s7 =	rddreg [dreg:$0x0];
	(pc) =	sbr.rel @p0 .LBB2_7-.Ltmp0, $4  }
0x4: {  	s3 =	rddreg [dreg:$0x1]  }
0x5: {  	s4 =	rddreg [dreg:$0x2];
	s2 =	simm.s32 $0x0  }
0x6: {  	[smem:$0x7FF] =	sst s2  }
0x7: {  	s0 =	rddreg [dreg:$0x3];
	_ =	strace $0x80000047  }
0x8: {  	s5 =	srdreg.scid;
	s6 =	sshll.u32 s1, $0x5  }
0x9: {  	s11 =	simm.s32 $0x1;
	s12 =	simm.s32 $0x800;
	s5 =	sand.u32 $0x1, s5  }
0xa: {  	s13 =	simm.s32 $0x1000;
	s14 =	simm.s32 $0x1800;
	s8 =	sshll.u32 s5, $0x4  }
0xb: {  	s15 =	simm.s32 $0x2000;
	s9 =	ssub.s32 $0x2, s5;
	s8 =	sor.u32 s8, s6  }
0xc: {  	s16 =	simm.s32 $0x0;
	s10 =	sshrl.u32 s9, $0x1;
	s6 =	sadd.s32 s8, s4  }
0xd: {  	s3 =	sadd.s32 s3, s8;
	s9 =	ssub.s32 s9, s10;
	s7 =	sadd.s32 s7, s8  }
0xe: {  	s10 =	simm.s32 $0x400;
	s4 =	sadd.s32 $0x1600, s6;
	s5 =	sadd.s32 $0xE00, s6  }
0xf: {  	v0 =	vimm.f32 $0.0e+00;
	v1 =	vimm.s32 $0x0;
	v2 =	vlaneseq.u32;
	s6 =	sadd.s32 $0x1E00, s6;
	s8 =	smax.u32 s9, $0x1;
	s9 =	simm.s32 $0x80  }
.LBB2_2:
0x10: {  	s17 =	simm.s32 $0x0  }
0x11: {  	[tilespmem:s17], [sflag:$0x1] =	stream.strided.gather [hbm4b:s7+s9], $0x800, s10, s9, $0x38;
	[tilespmem:$0x2080] =	vst v63  }
0x12: {  	_ =	swait.ge [sflag:s11], $0x800  }
0x13: {  	[sflag:s11] =	ssyncset.done $0x0  }
0x14: {  	[sflag:s11] =	ssyncadd.s32 $0xFFFFF800  }
0x15: {  	[tilespmem:s12], [sflag:$0x1] =	stream.strided.gather [hbm4b:s3+s9], $0x800, s10, s9, $0x38;
	[tilespmem:$0x2080] =	vst v63  }
0x16: {  	_ =	swait.ge [sflag:s11], $0x800  }
0x17: {  	[sflag:s11] =	ssyncset.done $0x0  }
0x18: {  	s18 =	simm.s32 $0x40;
	s19 =	simm.s32 $0x0;
	[sflag:s11] =	ssyncadd.s32 $0xFFFFF800  }
.LBB2_3:
0x19: {  	p0 =	sne.s32 s18, $0x1FC0;
	[tilespmem:s19+$0x1000] =	vst v0;
	s20 =	smov.u32 s18;
	s18 =	sadd.s32 $0x40, s18  }
.Ltmp1:
0x1a: {  	[tilespmem:s19+$0x1800] =	vst v0;
	(pc) =	sbr.rel @p0 .LBB2_3-.Ltmp1, $2  }
0x1b: {  	_ =	sdelay $0x2  }
0x1c: {  	s19 =	sshra.s32 s20, $0x2  }
0x1d: {  	[tilespmem:s19+$0x1000] =	vst v0  }
0x1e: {  	[tilespmem:s19+$0x1800] =	vst v0;
	s18 =	simm.s32 $0x0  }
0x1f: {  	v4 =	vld [tilespmem:s18+$0x0]  }
0x20: {  	v3 =	vld [tilespmem:s18+$0x800];
	_ =	sdelay $0x3  }
0x21: {  	v4 =	vmax.f32 v4, $-4.400000000e+01  }
0x22: {  	vm0 =	veq.s32 v3, $0x1;
	v4 =	vmin.f32 v4, $4.400000000e+01  }
0x23: {  	v5 =	vsub.f32 $0.0e+00, v4;
	v6 =	vmul.f32 $1.442695020e+00, v4;
	v4 =	vsel vm0, $0x1, v1  }
0x24: {  	(xrf0) =	vadd.scan.msk.s32 $0xffff, v4  }
0x25: {  	v5 =	vmul.f32 $1.442695020e+00, v5;
	_ =	sdelay $0x1  }
0x26: {  	(erf) = vpow2.f32 v5  }
0x27: {  	(erf) = vpow2.f32 v6  }
0x28: {  	s19 =	simm.s32 $0x40;
	s20 =	simm.s32 $0x80;
	s18 =	simm.s32 $0x0  }
.LBB2_5:
0x29: {  	p0 =	sne.s32 s20, $0x1FC0;
	v5, _, _ =	vpop (xrf0)  }
0x2a: {  	v4 =	vsub.s32 v5, v4;
	(v2sf) =	vpush v5, $0xF  }
0x2b: {  	vm1 =	vne.s32 v3, $0x1;
	v3 =	vadd.s32 s17, v4;
	v4 =	vsub.s32 s18, v4  }
0x2c: {  	v4 =	vadd.s32 v2, v4;
	_ =	sdelay $0x2  }
0x2d: {  	v5 =	vpop (erf)  }
0x2e: {  	[tilespmem:v3+s13+$0x0] =	vst.idx.msk vm0, v5;
	v3 =	vpop (erf)  }
0x2f: {  	s21 =	sshra.s32 s19, $0x2;
	s19 =	smov.u32 s20;
	[tilespmem:v4+s14+$0x0] =	vst.idx.msk vm1, v3  }
0x30: {  	v4 =	vld [tilespmem:s21+$0x0]  }
0x31: {  	v3 =	vld [tilespmem:s21+$0x800];
	_ =	sdelay $0x3  }
0x32: {  	v4 =	vmax.f32 v4, $-4.400000000e+01  }
0x33: {  	vm0 =	veq.s32 v3, $0x1;
	v5 =	vmin.f32 v4, $4.400000000e+01  }
0x34: {  	v4 =	vsel vm0, $0x1, v1;
	v6 =	vsub.f32 $0.0e+00, v5;
	s21 =	spop (v2sf)  }
0x35: {  	(xrf0) =	vadd.scan.msk.s32 $0xffff, v4;
	s17 =	sadd.s32 s17, s21;
	s18 =	ssub.s32 s18, s21  }
.Ltmp2:
0x36: {  	v6 =	vmul.f32 $1.442695020e+00, v6;
	s18 =	sadd.s32 $0x10, s18;
	(pc) =	sbr.rel @p0 .LBB2_5-.Ltmp2, $4  }
0x37: {  	v5 =	vmul.f32 $1.442695020e+00, v5  }
0x38: {  	(erf) = vpow2.f32 v6  }
0x39: {  	(erf) = vpow2.f32 v5  }
0x3a: {  	s20 =	sadd.s32 $0x40, s20  }
0x3b: {  	v5, _, _ =	vpop (xrf0)  }
0x3c: {  	v4 =	vsub.s32 v5, v4  }
0x3d: {  	vm1 =	vne.s32 v3, $0x1;
	v3 =	vadd.s32 s17, v4;
	v4 =	vsub.s32 s18, v4  }
0x3e: {  	v4 =	vadd.s32 v2, v4;
	_ =	sdelay $0x2  }
0x3f: {  	v6 =	vpop (erf)  }
0x40: {  	[tilespmem:v3+s13+$0x0] =	vst.idx.msk vm0, v6;
	v3 =	vpop (erf)  }
0x41: {  	s19 =	sshra.s32 s19, $0x2;
	[tilespmem:v4+s14+$0x0] =	vst.idx.msk vm1, v3  }
0x42: {  	v3 =	vld [tilespmem:s19+$0x800];
	_ =	sdelay $0x4  }
0x43: {  	vm14 =	veq.s32 v3, $0x1  }
0x44: {  	v60 =	vsel vm14, $0x1, v1  }
0x45: {  	(v2sf) =	vpush v5, $0xF;
	(xrf0) =	vadd.scan.msk.s32 $0xffff, v60;
	_ =	sdelay $0x1  }
0x46: {  	v61 =	vld [tilespmem:s19+$0x0];
	_ =	sdelay $0x3  }
0x47: {  	v62, _, _ =	vpop (xrf0)  }
0x48: {  	v5 =	vmax.f32 v61, $-4.400000000e+01;
	(v2sf) =	vpush v62, $0xF  }
0x49: {  	v5 =	vmin.f32 v5, $4.400000000e+01  }
0x4a: {  	v7 =	vsub.f32 $0.0e+00, v5;
	_ =	sdelay $0x1  }
0x4b: {  	v7 =	vmul.f32 $1.442695020e+00, v7  }
0x4c: {  	v5 =	vmul.f32 $1.442695020e+00, v5  }
0x4d: {  	(erf) = vpow2.f32 v7  }
0x4e: {  	(erf) = vpow2.f32 v5  }
0x4f: {  	s28 =	spop (v2sf)  }
0x50: {  	s29 =	ssub.s32 s18, s28  }
0x51: {  	s30 =	sadd.s32 s17, s28;
	s18 =	sadd.s32 $0x10, s29;
	v4 =	vsub.s32 v62, v60  }
0x52: {  	vm15 =	vne.s32 v3, $0x1;
	v3 =	vadd.s32 s30, v4;
	v4 =	vsub.s32 s18, v4  }
0x53: {  	v4 =	vadd.s32 v2, v4;
	_ =	sdelay $0x2  }
0x54: {  	v63 =	vpop (erf);
	s31 =	spop (v2sf)  }
0x55: {  	[tilespmem:v3+s13+$0x0] =	vst.idx.msk vm14, v63;
	v3 =	vpop (erf);
	s17 =	sadd.s32 s30, s31  }
0x56: {  	[tilespmem:v4+s14+$0x0] =	vst.idx.msk vm15, v3;
	v3 =	vmov s17  }
0x57: {  	[tilespmem:$0x2000] =	vst v3  }
0x58: {  	[hbm4b:s4+s9] =	stream.strided.scatter [tilespmem:s13], [sflag:$0x1], $0x800, s10, s9, $0x38;
	[tilespmem:$0x2080] =	vst v63  }
0x59: {  	_ =	swait.ge [sflag:s11], $0x800  }
0x5a: {  	[sflag:s11] =	ssyncset.done $0x0  }
0x5b: {  	[sflag:s11] =	ssyncadd.s32 $0xFFFFF800  }
0x5c: {  	[hbm4b:s5+s9] =	stream.strided.scatter [tilespmem:s14], [sflag:$0x1], $0x800, s10, s9, $0x38;
	[tilespmem:$0x2080] =	vst v63  }
0x5d: {  	s16 =	sadd.s32 $0x1, s16;
	_ =	swait.ge [sflag:s11], $0x800  }
0x5e: {  	p0 =	sne.s32 s16, s8;
	[sflag:s11] =	ssyncset.done $0x0  }
.Ltmp3:
0x5f: {  	[sflag:s11] =	ssyncadd.s32 $0xFFFFF800;
	(pc) =	sbr.rel @p0 .LBB2_2-.Ltmp3, $4  }
0x60: {  	[hbm4b:s6+s2] =	stream.linear.scatter [tilespmem:s15], [sflag:$0x1], $0x80, $0x38;
	[tilespmem:$0x2080] =	vst v63  }
0x61: {  	_ =	swait.ge [sflag:s11], $0x80  }
0x62: {  	[sflag:s11] =	ssyncset.done $0x0  }
0x63: {  	[sflag:s11] =	ssyncadd.s32 $0xFFFFFF80  }
.LBB2_7:
0x64: {  	_ =	sfence.sel $0x180000  }
0x65: {  	[bflag:$0x0] =	sbarrier.arrive $0xFFFF  }
0x66: {  	p0 =	sne.s32 s1, $0x0;
	_ =	strace $0x90000047  }
0x67: {  	s0 =	sadd.s32 @!p0 $0x100000, s0;
	[bflag:$0x2] =	sbarrier.arrive $0xFFFF  }
0x68: {  	[sflag:s0] =	ssyncadd.tile.s32 @!p0 $0x1;
	_ =	shalt  }
.Lfunc_end2:
_tile_overlayer_lowered:
.L_overlay_start_2:
0x69: {  	(tag) =	ssettag $0x2  }
0x6a: {  	s0 =	rddreg [dreg:$0x0];
	s2 =	stileid.u32  }
0x6b: {  	s1 =	rddreg [dreg:$0x1];
	p0 =	sne.s32 s2, $0x0  }
0x6c: {  	s3 =	rddreg [dreg:$0x2];
	[bflag:$0x3] =	sbarrier.arrive $0xFFFF;
	s2 =	simm.s32 @!p0 $0x1C01  }
0x6d: {  	[timem:s3], [sflag:s2] =	dma.local @!p0 [hbm:s0], s1  }
0x6e: {  	s0 =	simm.s32 @!p0 $0x1  }
0x6f: {  	_ =	swait.ge @!p0 [sflag:s0], s1  }
0x70: {  	s1 =	ssub.s32 @!p0 $0x0, s1;
	[sflag:s0] =	ssyncset.done @!p0 $0x0  }
0x71: {  	[sflag:s0] =	ssyncadd.s32 @!p0 s1  }
0x72: {  	[bflag:$0x3] =	sbarrier.arrive $0xFFFF  }
0x73: {  	_ =	shalt  }

</sc_bundles>
